<compile_context>
chip_gen: v7x
topology: tpu7x:2x2x1
jax: 0.10.2.dev20260603
libtpu: 0.0.44.dev20260713+nightly
codegen_flags: <defaults>
</compile_context>

<pallas_src>
import functools

import jax
import jax.numpy as jnp
from jax import lax
from jax.experimental import pallas as pl
from jax.experimental.pallas import tpu as pltpu
from jax.experimental.pallas import tpu_sc as plsc

_NC = 2
_NS = 16
_NW = _NC * _NS


def _make_router_body(B, E, T, G, BLK):
    NB = B // BLK

    def body(x_ref, wr_ref, br_ref, inv_ref, sc_ref, te_ref):
        logits = jnp.dot(x_ref[...], wr_ref[...], preferred_element_type=jnp.float32)
        logits = logits + br_ref[...][None, :]
        m = jnp.max(logits, axis=1, keepdims=True)
        ex = jnp.exp(logits - m)
        probs = ex / jnp.sum(ex, axis=1, keepdims=True)
        idx = jnp.argmax(probs, axis=1).astype(jnp.int32)
        sc_ref[...] = jnp.max(probs, axis=1)

        col = lax.broadcasted_iota(jnp.int32, (B, E), 1)
        oh = (col == idx[:, None]).astype(jnp.float32)
        tril = (
            lax.broadcasted_iota(jnp.int32, (BLK, BLK), 0)
            >= lax.broadcasted_iota(jnp.int32, (BLK, BLK), 1)
        ).astype(jnp.float32)
        carry = jnp.zeros((1, E), jnp.float32)
        rws = []
        for b in range(NB):
            ohb = oh[b * BLK:(b + 1) * BLK, :]
            cs = jnp.dot(tril, ohb, preferred_element_type=jnp.float32) + carry
            rws.append(jnp.sum(cs * ohb, axis=1) - 1.0)
            carry = cs[BLK - 1:BLK, :]
        counts = carry
        rw = jnp.concatenate(rws)

        tpe = jnp.floor((counts + (T - 1)) * (1.0 / T))
        le = (
            lax.broadcasted_iota(jnp.int32, (E, E), 0)
            <= lax.broadcasted_iota(jnp.int32, (E, E), 1)
        ).astype(jnp.float32)
        toff = jnp.dot(tpe, le, preferred_element_type=jnp.float32)
        pad_start = (toff - tpe) * T
        ps_tok = jnp.sum(oh * pad_start, axis=1)
        inv_ref[...] = (ps_tok + rw).astype(jnp.int32)

        gb = lax.broadcasted_iota(jnp.int32, (G, E), 0).astype(jnp.float32)
        te = jnp.sum((gb >= toff).astype(jnp.float32), axis=1)
        te_ref[...] = jnp.minimum(te, E - 1).astype(jnp.int32)

    return body


def _ffn_body(te_ref, x_ref, w1_ref, b1_ref, w2_ref, b2_ref, s_ref, o_ref):
    del te_ref
    xb = x_ref[...]
    h = jnp.dot(xb, w1_ref[0], preferred_element_type=jnp.float32) + b1_ref[0]
    h = jnp.maximum(h, 0.0)
    y = jnp.dot(h, w2_ref[0], preferred_element_type=jnp.float32) + b2_ref[0]
    o_ref[...] = y * s_ref[0, 0][:, None]


def _sc_mesh():
    return plsc.VectorSubcoreMesh(
        core_axis_name="c",
        subcore_axis_name="s",
        num_cores=_NC,
        num_subcores=_NS,
    )


def _make_row_gather(n_rows, d, chunk, name):
    per_w = n_rows // _NW
    assert per_w % chunk == 0
    n_ch = per_w // chunk

    def body(table_hbm, idx_hbm, out_hbm, idx_v, rows_v, sem):
        wid = lax.axis_index("s") * _NC + lax.axis_index("c")
        base = wid * per_w
        for c in range(n_ch):
            off = base + c * chunk
            pltpu.sync_copy(idx_hbm.at[pl.ds(off, chunk)], idx_v)
            pltpu.async_copy(table_hbm.at[idx_v], rows_v, sem).wait()
            pltpu.sync_copy(rows_v, out_hbm.at[pl.ds(off, chunk)])

    body.__name__ = name
    return functools.partial(
        pl.kernel,
        mesh=_sc_mesh(),
        out_type=jax.ShapeDtypeStruct((n_rows, d), jnp.float32),
        scratch_types=[
            pltpu.VMEM((chunk,), jnp.int32),
            pltpu.VMEM((chunk, d), jnp.float32),
            pltpu.SemaphoreType.DMA,
        ],
    )(body)


def _make_row_scatter(n_src, d, n_dst, name):
    per_w = n_src // _NW
    assert n_src % _NW == 0

    def body(src_hbm, idx_hbm, out_hbm, idx_v, rows_v, sem):
        wid = lax.axis_index("s") * _NC + lax.axis_index("c")
        base = wid * per_w
        pltpu.sync_copy(idx_hbm.at[wid], idx_v)
        pltpu.sync_copy(src_hbm.at[pl.ds(base, per_w)], rows_v)
        pltpu.async_copy(rows_v, out_hbm.at[idx_v], sem).wait()

    body.__name__ = name
    return functools.partial(
        pl.kernel,
        mesh=_sc_mesh(),
        out_type=jax.ShapeDtypeStruct((n_dst, d), jnp.float32),
        scratch_types=[
            pltpu.VMEM((per_w,), jnp.int32),
            pltpu.VMEM((per_w, d), jnp.float32),
            pltpu.SemaphoreType.DMA,
        ],
    )(body)


def kernel(x, Wr, br, W1, b1, W2, b2):
    B, D = x.shape
    E = Wr.shape[1]
    H = W1.shape[2]
    O = W2.shape[2]
    T = 128
    G = B // T + E
    PB = G * T

    inv_perm, scores, tile_expert = pl.pallas_call(
        _make_router_body(B, E, T, G, 256),
        out_shape=[
            jax.ShapeDtypeStruct((B,), jnp.int32),
            jax.ShapeDtypeStruct((B,), jnp.float32),
            jax.ShapeDtypeStruct((G,), jnp.int32),
        ],
    )(x, Wr, br)
    scores_pad = (
        jnp.zeros((PB,), jnp.float32).at[inv_perm].set(scores).reshape(G, 1, T)
    )

    scatter_in = _make_row_scatter(B, D, PB, "moe_stage_tokens")
    xs = scatter_in(x, inv_perm.reshape(_NW, B // _NW))

    b1r = b1.reshape(E, 1, H)
    b2r = b2.reshape(E, 1, O)
    grid_spec = pltpu.PrefetchScalarGridSpec(
        num_scalar_prefetch=1,
        grid=(G,),
        in_specs=[
            pl.BlockSpec((T, D), lambda g, te: (g, 0)),
            pl.BlockSpec((1, D, H), lambda g, te: (te[g], 0, 0)),
            pl.BlockSpec((1, 1, H), lambda g, te: (te[g], 0, 0)),
            pl.BlockSpec((1, H, O), lambda g, te: (te[g], 0, 0)),
            pl.BlockSpec((1, 1, O), lambda g, te: (te[g], 0, 0)),
            pl.BlockSpec((1, 1, T), lambda g, te: (g, 0, 0)),
        ],
        out_specs=pl.BlockSpec((T, O), lambda g, te: (g, 0)),
    )
    ys = pl.pallas_call(
        _ffn_body,
        grid_spec=grid_spec,
        out_shape=jax.ShapeDtypeStruct((PB, O), jnp.float32),
    )(tile_expert, xs, W1, b1r, W2, b2r, scores_pad)

    gather_out = _make_row_gather(B, O, 64, "moe_unpermute")
    out = gather_out(ys, inv_perm)
    return out

# --- scband reference (transcript-rebuilt; emitter-appended) ---
"""Pipeline reference for scband-mo-elayer-52166672777640 (READ-ONLY COPY).

The authoritative reference and input builder live on the scoring server;
editing this copy changes nothing except your own understanding.
"""

import jax, jax.numpy as jnp
import numpy as np

E = 64
K = 1
D = 768
H = 768
O = 768
B = 2048

def setup_inputs(seed: int = 0) -> dict:
    key = jax.random.key(seed)
    ks = jax.random.split(key, 7)
    x = jax.random.normal(ks[0], (B, D), dtype=jnp.float32)
    Wr = jax.random.normal(ks[1], (D, E), dtype=jnp.float32) * 0.02
    br = jnp.zeros((E,), dtype=jnp.float32)
    W1 = jax.random.normal(ks[2], (E, D, H), dtype=jnp.float32) * 0.02
    b1 = jnp.zeros((E, H), dtype=jnp.float32)
    W2 = jax.random.normal(ks[3], (E, H, O), dtype=jnp.float32) * 0.02
    b2 = jnp.zeros((E, O), dtype=jnp.float32)
    return {"x": x, "Wr": Wr, "br": br, "W1": W1, "b1": b1, "W2": W2, "b2": b2}

def reference(x, Wr, br, W1, b1, W2, b2):
    # Router: softmax over expert logits, top-k selection
    logits = x @ Wr + br
    probs = jax.nn.softmax(logits, axis=-1)
    topk_scores, topk_idx = jax.lax.top_k(probs, K)
    out = jnp.zeros((x.shape[0], O), dtype=jnp.float32)
    for i in range(K):
        idx_i = topk_idx[:, i]
        scores_i = topk_scores[:, i]
        def body(e, acc):
            h = jax.nn.relu(x @ W1[e] + b1[e])
            ye = h @ W2[e] + b2[e]
            w = jnp.where(idx_i == e, scores_i, jnp.float32(0.0))
            return acc + ye * w[:, None]
        out = jax.lax.fori_loop(0, E, body, out)
    return out

if __name__ == "__main__":
    import jax
    _d = setup_inputs()
    print(jax.jit(kernel)(*tuple(_d.values())))

</pallas_src>

<mosaic_0001>
#map = affine_map<(d0, d1) -> (0, 0)>
#map1 = affine_map<(d0, d1) -> (0)>
module attributes {stable_mosaic.version = 14 : i64} {
  func.func @moe_unpermute(%arg0: i32, %arg1: i32, %arg2: memref<10240x768xf32, #tpu.memory_space<hbm>>, %arg3: memref<2048xi32, #tpu.memory_space<hbm>>, %arg4: memref<2048x768xf32, #tpu.memory_space<hbm>>, %arg5: memref<64xi32, #tpu.memory_space<vmem>>, %arg6: memref<64x768xf32, #tpu.memory_space<vmem>>, %arg7: memref<!tpu.dma_semaphore, #tpu.memory_space<semaphore_mem>>) attributes {dimension_semantics = [#tpu.dimension_semantics<core_parallel>, #tpu.dimension_semantics<subcore_parallel>], iteration_bounds = array<i64: 2, 16>, scalar_prefetch = 0 : i64, scratch_operands = 3 : i64, tpu.core_type = #tpu.core_type<sc_vector_subcore>, window_params = [{transform_indices = #map}, {transform_indices = #map1}, {transform_indices = #map}]} {
    %mul3A = arith.constant 2 : i32
    %mul3A_0 = arith.muli %arg1, %mul3A : i32
    %add3A = arith.addi %mul3A_0, %arg0 : i32
    %mul3A_1 = arith.constant 64 : i32
    %mul3A_2 = arith.muli %add3A, %mul3A_1 : i32
    %add3A_3 = arith.constant 0 : i32
    %add3A_4 = arith.addi %mul3A_2, %add3A_3 : i32
    "tpu.region"() ({
      %run_scoped3A = tpu.sem_alloc : memref<!tpu.dma_semaphore, #tpu.memory_space<semaphore_mem>>
      %dma_start3A_9 = tpu.memref_slice %arg3[%add3A_4] : memref<2048xi32, #tpu.memory_space<hbm>> -> memref<64xi32, #tpu.memory_space<hbm>>
      %dma_start3A_10 = tpu.memref_slice %arg3[%add3A_4] : memref<2048xi32, #tpu.memory_space<hbm>> -> memref<64xi32, #tpu.memory_space<hbm>>
      tpu.enqueue_dma source(%dma_start3A_10 : memref<64xi32, #tpu.memory_space<hbm>>) target(%arg5 : memref<64xi32, #tpu.memory_space<vmem>>) target_semaphore(%run_scoped3A : memref<!tpu.dma_semaphore, #tpu.memory_space<semaphore_mem>>)
      %dma_wait3A_11 = tpu.memref_slice %arg3[%add3A_4] : memref<2048xi32, #tpu.memory_space<hbm>> -> memref<64xi32, #tpu.memory_space<hbm>>
      %dma_wait3A_12 = tpu.memref_slice %arg3[%add3A_4] : memref<2048xi32, #tpu.memory_space<hbm>> -> memref<64xi32, #tpu.memory_space<hbm>>
      tpu.wait_dma2 semaphore(%run_scoped3A : memref<!tpu.dma_semaphore, #tpu.memory_space<semaphore_mem>>) src(%dma_wait3A_12 : memref<64xi32, #tpu.memory_space<hbm>>) dst(%arg5 : memref<64xi32, #tpu.memory_space<vmem>>)
      tpu.yield
    }) : () -> ()
    %dma_start3A = arith.constant 0 : i32
    %dma_start3A_5 = arith.constant 0 : i32
    %dma_start3A_6 = tpu.memref_slice %arg2[%dma_start3A, %dma_start3A_5] : memref<10240x768xf32, #tpu.memory_space<hbm>> -> memref<10240x768xf32, #tpu.memory_space<hbm>>
    tpu.enqueue_indirect_dma source(%dma_start3A_6 : memref<10240x768xf32, #tpu.memory_space<hbm>>) target(%arg6 : memref<64x768xf32, #tpu.memory_space<vmem>>) offsets(%arg5 : memref<64xi32, #tpu.memory_space<vmem>>) semaphore(%arg7 : memref<!tpu.dma_semaphore, #tpu.memory_space<semaphore_mem>>)
    %dma_wait3A = arith.constant 0 : i32
    %dma_wait3A_7 = arith.constant 0 : i32
    %dma_wait3A_8 = tpu.memref_slice %arg2[%dma_wait3A, %dma_wait3A_7] : memref<10240x768xf32, #tpu.memory_space<hbm>> -> memref<10240x768xf32, #tpu.memory_space<hbm>>
    tpu.wait_indirect_dma semaphore(%arg7 : memref<!tpu.dma_semaphore, #tpu.memory_space<semaphore_mem>>) src(%dma_wait3A_8 : memref<10240x768xf32, #tpu.memory_space<hbm>>) dst(%arg6 : memref<64x768xf32, #tpu.memory_space<vmem>>)
    "tpu.region"() ({
      %run_scoped3A = tpu.sem_alloc : memref<!tpu.dma_semaphore, #tpu.memory_space<semaphore_mem>>
      %dma_start3A_9 = arith.constant 0 : i32
      %dma_start3A_10 = tpu.memref_slice %arg4[%add3A_4, %dma_start3A_9] : memref<2048x768xf32, #tpu.memory_space<hbm>> -> memref<64x768xf32, #tpu.memory_space<hbm>>
      %dma_start3A_11 = arith.constant 0 : i32
      %dma_start3A_12 = tpu.memref_slice %arg4[%add3A_4, %dma_start3A_11] : memref<2048x768xf32, #tpu.memory_space<hbm>> -> memref<64x768xf32, #tpu.memory_space<hbm>>
      tpu.enqueue_dma source(%arg6 : memref<64x768xf32, #tpu.memory_space<vmem>>) target(%dma_start3A_12 : memref<64x768xf32, #tpu.memory_space<hbm>>) target_semaphore(%run_scoped3A : memref<!tpu.dma_semaphore, #tpu.memory_space<semaphore_mem>>)
      %dma_wait3A_13 = arith.constant 0 : i32
      %dma_wait3A_14 = tpu.memref_slice %arg4[%add3A_4, %dma_wait3A_13] : memref<2048x768xf32, #tpu.memory_space<hbm>> -> memref<64x768xf32, #tpu.memory_space<hbm>>
      %dma_wait3A_15 = arith.constant 0 : i32
      %dma_wait3A_16 = tpu.memref_slice %arg4[%add3A_4, %dma_wait3A_15] : memref<2048x768xf32, #tpu.memory_space<hbm>> -> memref<64x768xf32, #tpu.memory_space<hbm>>
      tpu.wait_dma2 semaphore(%run_scoped3A : memref<!tpu.dma_semaphore, #tpu.memory_space<semaphore_mem>>) src(%arg6 : memref<64x768xf32, #tpu.memory_space<vmem>>) dst(%dma_wait3A_16 : memref<64x768xf32, #tpu.memory_space<hbm>>)
      tpu.yield
    }) : () -> ()
    return
  }
}

#map = affine_map<(d0, d1) -> (0, 0)>
module attributes {stable_mosaic.version = 14 : i64} {
  func.func @moe_stage_tokens(%arg0: i32, %arg1: i32, %arg2: memref<2048x768xf32, #tpu.memory_space<hbm>>, %arg3: memref<32x64xi32, #tpu.memory_space<hbm>>, %arg4: memref<10240x768xf32, #tpu.memory_space<hbm>>, %arg5: memref<64xi32, #tpu.memory_space<vmem>>, %arg6: memref<64x768xf32, #tpu.memory_space<vmem>>, %arg7: memref<!tpu.dma_semaphore, #tpu.memory_space<semaphore_mem>>) attributes {dimension_semantics = [#tpu.dimension_semantics<core_parallel>, #tpu.dimension_semantics<subcore_parallel>], iteration_bounds = array<i64: 2, 16>, scalar_prefetch = 0 : i64, scratch_operands = 3 : i64, tpu.core_type = #tpu.core_type<sc_vector_subcore>, window_params = [{transform_indices = #map}, {transform_indices = #map}, {transform_indices = #map}]} {
    %mul3A = arith.constant 2 : i32
    %mul3A_0 = arith.muli %arg1, %mul3A : i32
    %add3A = arith.addi %mul3A_0, %arg0 : i32
    %mul3A_1 = arith.constant 64 : i32
    %mul3A_2 = arith.muli %add3A, %mul3A_1 : i32
    "tpu.region"() ({
      %run_scoped3A = tpu.sem_alloc : memref<!tpu.dma_semaphore, #tpu.memory_space<semaphore_mem>>
      %dma_start3A_7 = arith.constant 0 : i32
      %dma_start3A_8 = tpu.memref_slice %arg3[%add3A, %dma_start3A_7] : memref<32x64xi32, #tpu.memory_space<hbm>> -> memref<1x64xi32, #tpu.memory_space<hbm>>
      %dma_start3A_9 = tpu.memref_squeeze %dma_start3A_8 : memref<1x64xi32, #tpu.memory_space<hbm>> -> memref<64xi32, #tpu.memory_space<hbm>>
      %dma_start3A_10 = arith.constant 0 : i32
      %dma_start3A_11 = tpu.memref_slice %arg3[%add3A, %dma_start3A_10] : memref<32x64xi32, #tpu.memory_space<hbm>> -> memref<1x64xi32, #tpu.memory_space<hbm>>
      %dma_start3A_12 = tpu.memref_squeeze %dma_start3A_11 : memref<1x64xi32, #tpu.memory_space<hbm>> -> memref<64xi32, #tpu.memory_space<hbm>>
      tpu.enqueue_dma source(%dma_start3A_12 : memref<64xi32, #tpu.memory_space<hbm>>) target(%arg5 : memref<64xi32, #tpu.memory_space<vmem>>) target_semaphore(%run_scoped3A : memref<!tpu.dma_semaphore, #tpu.memory_space<semaphore_mem>>)
      %dma_wait3A_13 = arith.constant 0 : i32
      %dma_wait3A_14 = tpu.memref_slice %arg3[%add3A, %dma_wait3A_13] : memref<32x64xi32, #tpu.memory_space<hbm>> -> memref<1x64xi32, #tpu.memory_space<hbm>>
      %dma_wait3A_15 = tpu.memref_squeeze %dma_wait3A_14 : memref<1x64xi32, #tpu.memory_space<hbm>> -> memref<64xi32, #tpu.memory_space<hbm>>
      %dma_wait3A_16 = arith.constant 0 : i32
      %dma_wait3A_17 = tpu.memref_slice %arg3[%add3A, %dma_wait3A_16] : memref<32x64xi32, #tpu.memory_space<hbm>> -> memref<1x64xi32, #tpu.memory_space<hbm>>
      %dma_wait3A_18 = tpu.memref_squeeze %dma_wait3A_17 : memref<1x64xi32, #tpu.memory_space<hbm>> -> memref<64xi32, #tpu.memory_space<hbm>>
      tpu.wait_dma2 semaphore(%run_scoped3A : memref<!tpu.dma_semaphore, #tpu.memory_space<semaphore_mem>>) src(%dma_wait3A_18 : memref<64xi32, #tpu.memory_space<hbm>>) dst(%arg5 : memref<64xi32, #tpu.memory_space<vmem>>)
      tpu.yield
    }) : () -> ()
    "tpu.region"() ({
      %run_scoped3A = tpu.sem_alloc : memref<!tpu.dma_semaphore, #tpu.memory_space<semaphore_mem>>
      %dma_start3A_7 = arith.constant 0 : i32
      %dma_start3A_8 = tpu.memref_slice %arg2[%mul3A_2, %dma_start3A_7] : memref<2048x768xf32, #tpu.memory_space<hbm>> -> memref<64x768xf32, #tpu.memory_space<hbm>>
      %dma_start3A_9 = arith.constant 0 : i32
      %dma_start3A_10 = tpu.memref_slice %arg2[%mul3A_2, %dma_start3A_9] : memref<2048x768xf32, #tpu.memory_space<hbm>> -> memref<64x768xf32, #tpu.memory_space<hbm>>
      tpu.enqueue_dma source(%dma_start3A_10 : memref<64x768xf32, #tpu.memory_space<hbm>>) target(%arg6 : memref<64x768xf32, #tpu.memory_space<vmem>>) target_semaphore(%run_scoped3A : memref<!tpu.dma_semaphore, #tpu.memory_space<semaphore_mem>>)
      %dma_wait3A_11 = arith.constant 0 : i32
      %dma_wait3A_12 = tpu.memref_slice %arg2[%mul3A_2, %dma_wait3A_11] : memref<2048x768xf32, #tpu.memory_space<hbm>> -> memref<64x768xf32, #tpu.memory_space<hbm>>
      %dma_wait3A_13 = arith.constant 0 : i32
      %dma_wait3A_14 = tpu.memref_slice %arg2[%mul3A_2, %dma_wait3A_13] : memref<2048x768xf32, #tpu.memory_space<hbm>> -> memref<64x768xf32, #tpu.memory_space<hbm>>
      tpu.wait_dma2 semaphore(%run_scoped3A : memref<!tpu.dma_semaphore, #tpu.memory_space<semaphore_mem>>) src(%dma_wait3A_14 : memref<64x768xf32, #tpu.memory_space<hbm>>) dst(%arg6 : memref<64x768xf32, #tpu.memory_space<vmem>>)
      tpu.yield
    }) : () -> ()
    %dma_start3A = arith.constant 0 : i32
    %dma_start3A_3 = arith.constant 0 : i32
    %dma_start3A_4 = tpu.memref_slice %arg4[%dma_start3A, %dma_start3A_3] : memref<10240x768xf32, #tpu.memory_space<hbm>> -> memref<10240x768xf32, #tpu.memory_space<hbm>>
    tpu.enqueue_indirect_dma source(%arg6 : memref<64x768xf32, #tpu.memory_space<vmem>>) target(%dma_start3A_4 : memref<10240x768xf32, #tpu.memory_space<hbm>>) offsets(%arg5 : memref<64xi32, #tpu.memory_space<vmem>>) semaphore(%arg7 : memref<!tpu.dma_semaphore, #tpu.memory_space<semaphore_mem>>)
    %dma_wait3A = arith.constant 0 : i32
    %dma_wait3A_5 = arith.constant 0 : i32
    %dma_wait3A_6 = tpu.memref_slice %arg4[%dma_wait3A, %dma_wait3A_5] : memref<10240x768xf32, #tpu.memory_space<hbm>> -> memref<10240x768xf32, #tpu.memory_space<hbm>>
    tpu.wait_indirect_dma semaphore(%arg7 : memref<!tpu.dma_semaphore, #tpu.memory_space<semaphore_mem>>) src(%arg6 : memref<64x768xf32, #tpu.memory_space<vmem>>) dst(%dma_wait3A_6 : memref<10240x768xf32, #tpu.memory_space<hbm>>)
    return
  }
}

module attributes {stable_mosaic.version = 14 : i64} {
  func.func @body(%arg0: memref<2048x768xf32, #tpu.memory_space<vmem>>, %arg1: memref<768x64xf32, #tpu.memory_space<vmem>>, %arg2: memref<64xf32, #tpu.memory_space<vmem>>, %arg3: memref<2048xi32, #tpu.memory_space<vmem>>, %arg4: memref<2048xf32, #tpu.memory_space<vmem>>, %arg5: memref<80xi32, #tpu.memory_space<vmem>>) attributes {dimension_semantics = [], scalar_prefetch = 0 : i64, scratch_operands = 0 : i64, tpu.core_type = #tpu.core_type<tc>} {
    %get3A = arith.constant 0 : index
    %get3A_0 = arith.constant 0 : index
    %get3A_1 = vector.load %arg0[%get3A, %get3A_0] : memref<2048x768xf32, #tpu.memory_space<vmem>>, vector<2048x768xf32>
    %get3A_2 = arith.constant 0 : index
    %get3A_3 = arith.constant 0 : index
    %get3A_4 = vector.load %arg1[%get3A_2, %get3A_3] : memref<768x64xf32, #tpu.memory_space<vmem>>, vector<768x64xf32>
    %dot_general3A = arith.constant dense<0.000000e+00> : vector<2048x64xf32>
    %dot_general3A_5 = tpu.matmul %get3A_1, %get3A_4, %dot_general3A {dimension_numbers = #tpu.dot_dimension_numbers<[1], [0], [0], [1], [0, 0, 1, 1], [], []>, transpose_lhs_hint = false} : vector<2048x768xf32>, vector<768x64xf32>, vector<2048x64xf32> -> vector<2048x64xf32>
    %get3A_6 = arith.constant 0 : index
    %get3A_7 = vector.load %arg2[%get3A_6] : memref<64xf32, #tpu.memory_space<vmem>>, vector<64xf32>
    %broadcast_in_dim3A = vector.shape_cast %get3A_7 : vector<64xf32> to vector<1x64xf32>
    %add3A = vector.broadcast %broadcast_in_dim3A : vector<1x64xf32> to vector<2048x64xf32>
    %add3A_8 = arith.addf %dot_general3A_5, %add3A : vector<2048x64xf32>
    %reduce_max3A = arith.constant dense<0xFF800000> : vector<2048xf32>
    %reduce_max3A_9 = vector.multi_reduction <maximumf>, %add3A_8, %reduce_max3A [1] : vector<2048x64xf32> to vector<2048xf32>
    %broadcast_in_dim3A_10 = vector.shape_cast %reduce_max3A_9 : vector<2048xf32> to vector<2048x1xf32>
    %sub3A = vector.broadcast %broadcast_in_dim3A_10 : vector<2048x1xf32> to vector<2048x64xf32>
    %sub3A_11 = arith.subf %add3A_8, %sub3A : vector<2048x64xf32>
    %exp3A = math.exp %sub3A_11 : vector<2048x64xf32>
    %reduce_sum3A = arith.constant dense<0.000000e+00> : vector<2048xf32>
    %reduce_sum3A_12 = vector.multi_reduction <add>, %exp3A, %reduce_sum3A [1] : vector<2048x64xf32> to vector<2048xf32>
    %broadcast_in_dim3A_13 = vector.shape_cast %reduce_sum3A_12 : vector<2048xf32> to vector<2048x1xf32>
    %div3A = vector.broadcast %broadcast_in_dim3A_13 : vector<2048x1xf32> to vector<2048x64xf32>
    %div3A_14 = arith.divf %exp3A, %div3A : vector<2048x64xf32>
    %argmax3A = tpu.reduce_index %div3A_14 {axis = 1 : i32, kind = #tpu.reduction_kind<arg_max>} : vector<2048x64xf32> -> vector<2048xi32>
    %reduce_max3A_15 = arith.constant dense<0xFF800000> : vector<2048xf32>
    %reduce_max3A_16 = vector.multi_reduction <maximumf>, %div3A_14, %reduce_max3A_15 [1] : vector<2048x64xf32> to vector<2048xf32>
    %swap3A = arith.constant 0 : index
    %swap3A_17 = vector.load %arg4[%swap3A] : memref<2048xf32, #tpu.memory_space<vmem>>, vector<2048xf32>
    tpu.vector_store %arg4[%swap3A], %reduce_max3A_16 {strides = array<i32>} : memref<2048xf32, #tpu.memory_space<vmem>>, vector<2048xf32>,
    %iota3A = tpu.iota {dimensions = array<i32: 1>} : vector<2048x64xi32>
    %broadcast_in_dim3A_18 = vector.shape_cast %argmax3A : vector<2048xi32> to vector<2048x1xi32>
    %eq3A = vector.broadcast %broadcast_in_dim3A_18 : vector<2048x1xi32> to vector<2048x64xi32>
    %eq3A_19 = arith.cmpi eq, %iota3A, %eq3A : vector<2048x64xi32>
    %convert_element_type3A = arith.extui %eq3A_19 : vector<2048x64xi1> to vector<2048x64xi32>
    %convert_element_type3A_20 = arith.sitofp %convert_element_type3A : vector<2048x64xi32> to vector<2048x64xf32>
    %iota3A_21 = tpu.iota {dimensions = array<i32: 0>} : vector<256x256xi32>
    %iota3A_22 = tpu.iota {dimensions = array<i32: 1>} : vector<256x256xi32>
    %ge3A = arith.cmpi sge, %iota3A_21, %iota3A_22 : vector<256x256xi32>
    %convert_element_type3A_23 = arith.extui %ge3A : vector<256x256xi1> to vector<256x256xi32>
    %convert_element_type3A_24 = arith.sitofp %convert_element_type3A_23 : vector<256x256xi32> to vector<256x256xf32>
    %broadcast_in_dim3A_25 = arith.constant 0.000000e+00 : f32
    %broadcast_in_dim3A_26 = vector.broadcast %broadcast_in_dim3A_25 : f32 to vector<1x64xf32>
    %slice3A = vector.extract_strided_slice %convert_element_type3A_20 {offsets = [0, 0], sizes = [256, 64], strides = [1, 1]} : vector<2048x64xf32> to vector<256x64xf32>
    %dot_general3A_27 = arith.constant dense<0.000000e+00> : vector<256x64xf32>
    %dot_general3A_28 = tpu.matmul %convert_element_type3A_24, %slice3A, %dot_general3A_27 {dimension_numbers = #tpu.dot_dimension_numbers<[1], [0], [0], [1], [0, 0, 1, 1], [], []>, transpose_lhs_hint = false} : vector<256x256xf32>, vector<256x64xf32>, vector<256x64xf32> -> vector<256x64xf32>
    %add3A_29 = vector.broadcast %broadcast_in_dim3A_26 : vector<1x64xf32> to vector<256x64xf32>
    %add3A_30 = arith.addf %dot_general3A_28, %add3A_29 : vector<256x64xf32>
    %mul3A = arith.mulf %add3A_30, %slice3A : vector<256x64xf32>
    %reduce_sum3A_31 = arith.constant dense<0.000000e+00> : vector<256xf32>
    %reduce_sum3A_32 = vector.multi_reduction <add>, %mul3A, %reduce_sum3A_31 [1] : vector<256x64xf32> to vector<256xf32>
    %sub3A_33 = arith.constant 1.000000e+00 : f32
    %sub3A_34 = vector.broadcast %sub3A_33 : f32 to vector<256xf32>
    %sub3A_35 = arith.subf %reduce_sum3A_32, %sub3A_34 : vector<256xf32>
    %slice3A_36 = vector.extract_strided_slice %add3A_30 {offsets = [255, 0], sizes = [1, 64], strides = [1, 1]} : vector<256x64xf32> to vector<1x64xf32>
    %slice3A_37 = vector.extract_strided_slice %convert_element_type3A_20 {offsets = [256, 0], sizes = [256, 64], strides = [1, 1]} : vector<2048x64xf32> to vector<256x64xf32>
    %dot_general3A_38 = arith.constant dense<0.000000e+00> : vector<256x64xf32>
    %dot_general3A_39 = tpu.matmul %convert_element_type3A_24, %slice3A_37, %dot_general3A_38 {dimension_numbers = #tpu.dot_dimension_numbers<[1], [0], [0], [1], [0, 0, 1, 1], [], []>, transpose_lhs_hint = false} : vector<256x256xf32>, vector<256x64xf32>, vector<256x64xf32> -> vector<256x64xf32>
    %add3A_40 = vector.broadcast %slice3A_36 : vector<1x64xf32> to vector<256x64xf32>
    %add3A_41 = arith.addf %dot_general3A_39, %add3A_40 : vector<256x64xf32>
    %mul3A_42 = arith.mulf %add3A_41, %slice3A_37 : vector<256x64xf32>
    %reduce_sum3A_43 = arith.constant dense<0.000000e+00> : vector<256xf32>
    %reduce_sum3A_44 = vector.multi_reduction <add>, %mul3A_42, %reduce_sum3A_43 [1] : vector<256x64xf32> to vector<256xf32>
    %sub3A_45 = arith.constant 1.000000e+00 : f32
    %sub3A_46 = vector.broadcast %sub3A_45 : f32 to vector<256xf32>
    %sub3A_47 = arith.subf %reduce_sum3A_44, %sub3A_46 : vector<256xf32>
    %slice3A_48 = vector.extract_strided_slice %add3A_41 {offsets = [255, 0], sizes = [1, 64], strides = [1, 1]} : vector<256x64xf32> to vector<1x64xf32>
    %slice3A_49 = vector.extract_strided_slice %convert_element_type3A_20 {offsets = [512, 0], sizes = [256, 64], strides = [1, 1]} : vector<2048x64xf32> to vector<256x64xf32>
    %dot_general3A_50 = arith.constant dense<0.000000e+00> : vector<256x64xf32>
    %dot_general3A_51 = tpu.matmul %convert_element_type3A_24, %slice3A_49, %dot_general3A_50 {dimension_numbers = #tpu.dot_dimension_numbers<[1], [0], [0], [1], [0, 0, 1, 1], [], []>, transpose_lhs_hint = false} : vector<256x256xf32>, vector<256x64xf32>, vector<256x64xf32> -> vector<256x64xf32>
    %add3A_52 = vector.broadcast %slice3A_48 : vector<1x64xf32> to vector<256x64xf32>
    %add3A_53 = arith.addf %dot_general3A_51, %add3A_52 : vector<256x64xf32>
    %mul3A_54 = arith.mulf %add3A_53, %slice3A_49 : vector<256x64xf32>
    %reduce_sum3A_55 = arith.constant dense<0.000000e+00> : vector<256xf32>
    %reduce_sum3A_56 = vector.multi_reduction <add>, %mul3A_54, %reduce_sum3A_55 [1] : vector<256x64xf32> to vector<256xf32>
    %sub3A_57 = arith.constant 1.000000e+00 : f32
    %sub3A_58 = vector.broadcast %sub3A_57 : f32 to vector<256xf32>
    %sub3A_59 = arith.subf %reduce_sum3A_56, %sub3A_58 : vector<256xf32>
    %slice3A_60 = vector.extract_strided_slice %add3A_53 {offsets = [255, 0], sizes = [1, 64], strides = [1, 1]} : vector<256x64xf32> to vector<1x64xf32>
    %slice3A_61 = vector.extract_strided_slice %convert_element_type3A_20 {offsets = [768, 0], sizes = [256, 64], strides = [1, 1]} : vector<2048x64xf32> to vector<256x64xf32>
    %dot_general3A_62 = arith.constant dense<0.000000e+00> : vector<256x64xf32>
    %dot_general3A_63 = tpu.matmul %convert_element_type3A_24, %slice3A_61, %dot_general3A_62 {dimension_numbers = #tpu.dot_dimension_numbers<[1], [0], [0], [1], [0, 0, 1, 1], [], []>, transpose_lhs_hint = false} : vector<256x256xf32>, vector<256x64xf32>, vector<256x64xf32> -> vector<256x64xf32>
    %add3A_64 = vector.broadcast %slice3A_60 : vector<1x64xf32> to vector<256x64xf32>
    %add3A_65 = arith.addf %dot_general3A_63, %add3A_64 : vector<256x64xf32>
    %mul3A_66 = arith.mulf %add3A_65, %slice3A_61 : vector<256x64xf32>
    %reduce_sum3A_67 = arith.constant dense<0.000000e+00> : vector<256xf32>
    %reduce_sum3A_68 = vector.multi_reduction <add>, %mul3A_66, %reduce_sum3A_67 [1] : vector<256x64xf32> to vector<256xf32>
    %sub3A_69 = arith.constant 1.000000e+00 : f32
    %sub3A_70 = vector.broadcast %sub3A_69 : f32 to vector<256xf32>
    %sub3A_71 = arith.subf %reduce_sum3A_68, %sub3A_70 : vector<256xf32>
    %slice3A_72 = vector.extract_strided_slice %add3A_65 {offsets = [255, 0], sizes = [1, 64], strides = [1, 1]} : vector<256x64xf32> to vector<1x64xf32>
    %slice3A_73 = vector.extract_strided_slice %convert_element_type3A_20 {offsets = [1024, 0], sizes = [256, 64], strides = [1, 1]} : vector<2048x64xf32> to vector<256x64xf32>
    %dot_general3A_74 = arith.constant dense<0.000000e+00> : vector<256x64xf32>
    %dot_general3A_75 = tpu.matmul %convert_element_type3A_24, %slice3A_73, %dot_general3A_74 {dimension_numbers = #tpu.dot_dimension_numbers<[1], [0], [0], [1], [0, 0, 1, 1], [], []>, transpose_lhs_hint = false} : vector<256x256xf32>, vector<256x64xf32>, vector<256x64xf32> -> vector<256x64xf32>
    %add3A_76 = vector.broadcast %slice3A_72 : vector<1x64xf32> to vector<256x64xf32>
    %add3A_77 = arith.addf %dot_general3A_75, %add3A_76 : vector<256x64xf32>
    %mul3A_78 = arith.mulf %add3A_77, %slice3A_73 : vector<256x64xf32>
    %reduce_sum3A_79 = arith.constant dense<0.000000e+00> : vector<256xf32>
    %reduce_sum3A_80 = vector.multi_reduction <add>, %mul3A_78, %reduce_sum3A_79 [1] : vector<256x64xf32> to vector<256xf32>
    %sub3A_81 = arith.constant 1.000000e+00 : f32
    %sub3A_82 = vector.broadcast %sub3A_81 : f32 to vector<256xf32>
    %sub3A_83 = arith.subf %reduce_sum3A_80, %sub3A_82 : vector<256xf32>
    %slice3A_84 = vector.extract_strided_slice %add3A_77 {offsets = [255, 0], sizes = [1, 64], strides = [1, 1]} : vector<256x64xf32> to vector<1x64xf32>
    %slice3A_85 = vector.extract_strided_slice %convert_element_type3A_20 {offsets = [1280, 0], sizes = [256, 64], strides = [1, 1]} : vector<2048x64xf32> to vector<256x64xf32>
    %dot_general3A_86 = arith.constant dense<0.000000e+00> : vector<256x64xf32>
    %dot_general3A_87 = tpu.matmul %convert_element_type3A_24, %slice3A_85, %dot_general3A_86 {dimension_numbers = #tpu.dot_dimension_numbers<[1], [0], [0], [1], [0, 0, 1, 1], [], []>, transpose_lhs_hint = false} : vector<256x256xf32>, vector<256x64xf32>, vector<256x64xf32> -> vector<256x64xf32>
    %add3A_88 = vector.broadcast %slice3A_84 : vector<1x64xf32> to vector<256x64xf32>
    %add3A_89 = arith.addf %dot_general3A_87, %add3A_88 : vector<256x64xf32>
    %mul3A_90 = arith.mulf %add3A_89, %slice3A_85 : vector<256x64xf32>
    %reduce_sum3A_91 = arith.constant dense<0.000000e+00> : vector<256xf32>
    %reduce_sum3A_92 = vector.multi_reduction <add>, %mul3A_90, %reduce_sum3A_91 [1] : vector<256x64xf32> to vector<256xf32>
    %sub3A_93 = arith.constant 1.000000e+00 : f32
    %sub3A_94 = vector.broadcast %sub3A_93 : f32 to vector<256xf32>
    %sub3A_95 = arith.subf %reduce_sum3A_92, %sub3A_94 : vector<256xf32>
    %slice3A_96 = vector.extract_strided_slice %add3A_89 {offsets = [255, 0], sizes = [1, 64], strides = [1, 1]} : vector<256x64xf32> to vector<1x64xf32>
    %slice3A_97 = vector.extract_strided_slice %convert_element_type3A_20 {offsets = [1536, 0], sizes = [256, 64], strides = [1, 1]} : vector<2048x64xf32> to vector<256x64xf32>
    %dot_general3A_98 = arith.constant dense<0.000000e+00> : vector<256x64xf32>
    %dot_general3A_99 = tpu.matmul %convert_element_type3A_24, %slice3A_97, %dot_general3A_98 {dimension_numbers = #tpu.dot_dimension_numbers<[1], [0], [0], [1], [0, 0, 1, 1], [], []>, transpose_lhs_hint = false} : vector<256x256xf32>, vector<256x64xf32>, vector<256x64xf32> -> vector<256x64xf32>
    %add3A_100 = vector.broadcast %slice3A_96 : vector<1x64xf32> to vector<256x64xf32>
    %add3A_101 = arith.addf %dot_general3A_99, %add3A_100 : vector<256x64xf32>
    %mul3A_102 = arith.mulf %add3A_101, %slice3A_97 : vector<256x64xf32>
    %reduce_sum3A_103 = arith.constant dense<0.000000e+00> : vector<256xf32>
    %reduce_sum3A_104 = vector.multi_reduction <add>, %mul3A_102, %reduce_sum3A_103 [1] : vector<256x64xf32> to vector<256xf32>
    %sub3A_105 = arith.constant 1.000000e+00 : f32
    %sub3A_106 = vector.broadcast %sub3A_105 : f32 to vector<256xf32>
    %sub3A_107 = arith.subf %reduce_sum3A_104, %sub3A_106 : vector<256xf32>
    %slice3A_108 = vector.extract_strided_slice %add3A_101 {offsets = [255, 0], sizes = [1, 64], strides = [1, 1]} : vector<256x64xf32> to vector<1x64xf32>
    %slice3A_109 = vector.extract_strided_slice %convert_element_type3A_20 {offsets = [1792, 0], sizes = [256, 64], strides = [1, 1]} : vector<2048x64xf32> to vector<256x64xf32>
    %dot_general3A_110 = arith.constant dense<0.000000e+00> : vector<256x64xf32>
    %dot_general3A_111 = tpu.matmul %convert_element_type3A_24, %slice3A_109, %dot_general3A_110 {dimension_numbers = #tpu.dot_dimension_numbers<[1], [0], [0], [1], [0, 0, 1, 1], [], []>, transpose_lhs_hint = false} : vector<256x256xf32>, vector<256x64xf32>, vector<256x64xf32> -> vector<256x64xf32>
    %add3A_112 = vector.broadcast %slice3A_108 : vector<1x64xf32> to vector<256x64xf32>
    %add3A_113 = arith.addf %dot_general3A_111, %add3A_112 : vector<256x64xf32>
    %mul3A_114 = arith.mulf %add3A_113, %slice3A_109 : vector<256x64xf32>
    %reduce_sum3A_115 = arith.constant dense<0.000000e+00> : vector<256xf32>
    %reduce_sum3A_116 = vector.multi_reduction <add>, %mul3A_114, %reduce_sum3A_115 [1] : vector<256x64xf32> to vector<256xf32>
    %sub3A_117 = arith.constant 1.000000e+00 : f32
    %sub3A_118 = vector.broadcast %sub3A_117 : f32 to vector<256xf32>
    %sub3A_119 = arith.subf %reduce_sum3A_116, %sub3A_118 : vector<256xf32>
    %slice3A_120 = vector.extract_strided_slice %add3A_113 {offsets = [255, 0], sizes = [1, 64], strides = [1, 1]} : vector<256x64xf32> to vector<1x64xf32>
    %concatenate3A = tpu.concatenate %sub3A_35, %sub3A_47, %sub3A_59, %sub3A_71, %sub3A_83, %sub3A_95, %sub3A_107, %sub3A_119 in 0 : vector<256xf32>, vector<256xf32>, vector<256xf32>, vector<256xf32>, vector<256xf32>, vector<256xf32>, vector<256xf32>, vector<256xf32> -> vector<2048xf32>
    %add3A_121 = arith.constant 1.270000e+02 : f32
    %add3A_122 = vector.broadcast %add3A_121 : f32 to vector<1x64xf32>
    %add3A_123 = arith.addf %slice3A_120, %add3A_122 : vector<1x64xf32>
    %mul3A_124 = arith.constant 7.812500e-03 : f32
    %mul3A_125 = vector.broadcast %mul3A_124 : f32 to vector<1x64xf32>
    %mul3A_126 = arith.mulf %add3A_123, %mul3A_125 : vector<1x64xf32>
    %floor3A = math.floor %mul3A_126 : vector<1x64xf32>
    %iota3A_127 = tpu.iota {dimensions = array<i32: 0>} : vector<64x64xi32>
    %iota3A_128 = tpu.iota {dimensions = array<i32: 1>} : vector<64x64xi32>
    %le3A = arith.cmpi sle, %iota3A_127, %iota3A_128 : vector<64x64xi32>
    %convert_element_type3A_129 = arith.extui %le3A : vector<64x64xi1> to vector<64x64xi32>
    %convert_element_type3A_130 = arith.sitofp %convert_element_type3A_129 : vector<64x64xi32> to vector<64x64xf32>
    %dot_general3A_131 = arith.constant dense<0.000000e+00> : vector<1x64xf32>
    %dot_general3A_132 = tpu.matmul %floor3A, %convert_element_type3A_130, %dot_general3A_131 {dimension_numbers = #tpu.dot_dimension_numbers<[1], [0], [0], [1], [0, 0, 1, 1], [], []>, transpose_lhs_hint = false} : vector<1x64xf32>, vector<64x64xf32>, vector<1x64xf32> -> vector<1x64xf32>
    %sub3A_133 = arith.subf %dot_general3A_132, %floor3A : vector<1x64xf32>
    %mul3A_134 = arith.constant 1.280000e+02 : f32
    %mul3A_135 = vector.broadcast %mul3A_134 : f32 to vector<1x64xf32>
    %mul3A_136 = arith.mulf %sub3A_133, %mul3A_135 : vector<1x64xf32>
    %mul3A_137 = vector.broadcast %mul3A_136 : vector<1x64xf32> to vector<2048x64xf32>
    %mul3A_138 = arith.mulf %convert_element_type3A_20, %mul3A_137 : vector<2048x64xf32>
    %reduce_sum3A_139 = arith.constant dense<0.000000e+00> : vector<2048xf32>
    %reduce_sum3A_140 = vector.multi_reduction <add>, %mul3A_138, %reduce_sum3A_139 [1] : vector<2048x64xf32> to vector<2048xf32>
    %add3A_141 = arith.addf %reduce_sum3A_140, %concatenate3A : vector<2048xf32>
    %convert_element_type3A_142 = arith.fptosi %add3A_141 : vector<2048xf32> to vector<2048xi32>
    %swap3A_143 = arith.constant 0 : index
    %swap3A_144 = vector.load %arg3[%swap3A_143] : memref<2048xi32, #tpu.memory_space<vmem>>, vector<2048xi32>
    tpu.vector_store %arg3[%swap3A_143], %convert_element_type3A_142 {strides = array<i32>} : memref<2048xi32, #tpu.memory_space<vmem>>, vector<2048xi32>,
    %iota3A_145 = tpu.iota {dimensions = array<i32: 0>} : vector<80x64xi32>
    %convert_element_type3A_146 = arith.sitofp %iota3A_145 : vector<80x64xi32> to vector<80x64xf32>
    %ge3A_147 = vector.broadcast %dot_general3A_132 : vector<1x64xf32> to vector<80x64xf32>
    %ge3A_148 = arith.cmpf oge, %convert_element_type3A_146, %ge3A_147 : vector<80x64xf32>
    %convert_element_type3A_149 = arith.extui %ge3A_148 : vector<80x64xi1> to vector<80x64xi32>
    %convert_element_type3A_150 = arith.sitofp %convert_element_type3A_149 : vector<80x64xi32> to vector<80x64xf32>
    %reduce_sum3A_151 = arith.constant dense<0.000000e+00> : vector<80xf32>
    %reduce_sum3A_152 = vector.multi_reduction <add>, %convert_element_type3A_150, %reduce_sum3A_151 [1] : vector<80x64xf32> to vector<80xf32>
    %min3A = arith.constant 6.300000e+01 : f32
    %min3A_153 = vector.broadcast %min3A : f32 to vector<80xf32>
    %min3A_154 = arith.minimumf %reduce_sum3A_152, %min3A_153 : vector<80xf32>
    %convert_element_type3A_155 = arith.fptosi %min3A_154 : vector<80xf32> to vector<80xi32>
    %swap3A_156 = arith.constant 0 : index
    %swap3A_157 = vector.load %arg5[%swap3A_156] : memref<80xi32, #tpu.memory_space<vmem>>, vector<80xi32>
    tpu.vector_store %arg5[%swap3A_156], %convert_element_type3A_155 {strides = array<i32>} : memref<80xi32, #tpu.memory_space<vmem>>, vector<80xi32>,
    return
  }
}

module attributes {stable_mosaic.version = 14 : i64} {
  func.func @_ffn_body(%arg0: i32, %arg1: memref<80xi32, #tpu.memory_space<smem>>, %arg2: memref<128x768xf32, #tpu.memory_space<vmem>>, %arg3: memref<1x768x768xf32, #tpu.memory_space<vmem>>, %arg4: memref<1x1x768xf32, #tpu.memory_space<vmem>>, %arg5: memref<1x768x768xf32, #tpu.memory_space<vmem>>, %arg6: memref<1x1x768xf32, #tpu.memory_space<vmem>>, %arg7: memref<1x1x128xf32, #tpu.memory_space<vmem>>, %arg8: memref<128x768xf32, #tpu.memory_space<vmem>>) attributes {dimension_semantics = [#tpu.dimension_semantics<arbitrary>], iteration_bounds = array<i64: 80>, scalar_prefetch = 1 : i64, scratch_operands = 0 : i64, tpu.core_type = #tpu.core_type<tc>, window_params = [{transform_indices = @transform_0, window_bounds = array<i64: 128, 768>}, {transform_indices = @transform_1, window_bounds = array<i64: 1, 768, 768>}, {transform_indices = @transform_2, window_bounds = array<i64: 1, 1, 768>}, {transform_indices = @transform_3, window_bounds = array<i64: 1, 768, 768>}, {transform_indices = @transform_4, window_bounds = array<i64: 1, 1, 768>}, {transform_indices = @transform_5, window_bounds = array<i64: 1, 1, 128>}, {transform_indices = @transform_6, window_bounds = array<i64: 128, 768>}]} {
    %get3A = arith.constant 0 : index
    %get3A_0 = arith.constant 0 : index
    %get3A_1 = vector.load %arg2[%get3A, %get3A_0] : memref<128x768xf32, #tpu.memory_space<vmem>>, vector<128x768xf32>
    %get3A_2 = arith.constant 0 : index
    %get3A_3 = arith.constant 0 : index
    %get3A_4 = arith.constant 0 : index
    %get3A_5 = vector.load %arg3[%get3A_2, %get3A_3, %get3A_4] : memref<1x768x768xf32, #tpu.memory_space<vmem>>, vector<1x768x768xf32>
    %get3A_6 = vector.shape_cast %get3A_5 : vector<1x768x768xf32> to vector<768x768xf32>
    %dot_general3A = arith.constant dense<0.000000e+00> : vector<128x768xf32>
    %dot_general3A_7 = tpu.matmul %get3A_1, %get3A_6, %dot_general3A {dimension_numbers = #tpu.dot_dimension_numbers<[1], [0], [0], [1], [0, 0, 1, 1], [], []>, transpose_lhs_hint = false} : vector<128x768xf32>, vector<768x768xf32>, vector<128x768xf32> -> vector<128x768xf32>
    %get3A_8 = arith.constant 0 : index
    %get3A_9 = arith.constant 0 : index
    %get3A_10 = arith.constant 0 : index
    %get3A_11 = vector.load %arg4[%get3A_8, %get3A_9, %get3A_10] : memref<1x1x768xf32, #tpu.memory_space<vmem>>, vector<1x1x768xf32>
    %get3A_12 = vector.shape_cast %get3A_11 : vector<1x1x768xf32> to vector<1x768xf32>
    %add3A = vector.broadcast %get3A_12 : vector<1x768xf32> to vector<128x768xf32>
    %add3A_13 = arith.addf %dot_general3A_7, %add3A : vector<128x768xf32>
    %max3A = arith.constant 0.000000e+00 : f32
    %max3A_14 = vector.broadcast %max3A : f32 to vector<128x768xf32>
    %max3A_15 = arith.maximumf %add3A_13, %max3A_14 : vector<128x768xf32>
    %get3A_16 = arith.constant 0 : index
    %get3A_17 = arith.constant 0 : index
    %get3A_18 = arith.constant 0 : index
    %get3A_19 = vector.load %arg5[%get3A_16, %get3A_17, %get3A_18] : memref<1x768x768xf32, #tpu.memory_space<vmem>>, vector<1x768x768xf32>
    %get3A_20 = vector.shape_cast %get3A_19 : vector<1x768x768xf32> to vector<768x768xf32>
    %dot_general3A_21 = arith.constant dense<0.000000e+00> : vector<128x768xf32>
    %dot_general3A_22 = tpu.matmul %max3A_15, %get3A_20, %dot_general3A_21 {dimension_numbers = #tpu.dot_dimension_numbers<[1], [0], [0], [1], [0, 0, 1, 1], [], []>, transpose_lhs_hint = false} : vector<128x768xf32>, vector<768x768xf32>, vector<128x768xf32> -> vector<128x768xf32>
    %get3A_23 = arith.constant 0 : index
    %get3A_24 = arith.constant 0 : index
    %get3A_25 = arith.constant 0 : index
    %get3A_26 = vector.load %arg6[%get3A_23, %get3A_24, %get3A_25] : memref<1x1x768xf32, #tpu.memory_space<vmem>>, vector<1x1x768xf32>
    %get3A_27 = vector.shape_cast %get3A_26 : vector<1x1x768xf32> to vector<1x768xf32>
    %add3A_28 = vector.broadcast %get3A_27 : vector<1x768xf32> to vector<128x768xf32>
    %add3A_29 = arith.addf %dot_general3A_22, %add3A_28 : vector<128x768xf32>
    %get3A_30 = arith.constant 0 : index
    %get3A_31 = arith.constant 0 : index
    %get3A_32 = arith.constant 0 : index
    %get3A_33 = vector.load %arg7[%get3A_30, %get3A_31, %get3A_32] : memref<1x1x128xf32, #tpu.memory_space<vmem>>, vector<1x1x128xf32>
    %get3A_34 = vector.shape_cast %get3A_33 : vector<1x1x128xf32> to vector<128xf32>
    %broadcast_in_dim3A = vector.shape_cast %get3A_34 : vector<128xf32> to vector<128x1xf32>
    %mul3A = vector.broadcast %broadcast_in_dim3A : vector<128x1xf32> to vector<128x768xf32>
    %mul3A_35 = arith.mulf %add3A_29, %mul3A : vector<128x768xf32>
    %swap3A = arith.constant 0 : index
    %swap3A_36 = arith.constant 0 : index
    %swap3A_37 = vector.load %arg8[%swap3A, %swap3A_36] : memref<128x768xf32, #tpu.memory_space<vmem>>, vector<128x768xf32>
    tpu.vector_store %arg8[%swap3A, %swap3A_36], %mul3A_35 {strides = array<i32>} : memref<128x768xf32, #tpu.memory_space<vmem>>, vector<128x768xf32>,
    return
  }
  func.func @transform_0(%arg0: i32, %arg1: memref<80xi32, #tpu.memory_space<smem>>) -> (i32, i32) {
    %c0_i32 = arith.constant 0 : i32
    %c0_i32_0 = arith.constant 0 : i32
    return %arg0, %c0_i32 : i32, i32
  }
  func.func @transform_1(%arg0: i32, %arg1: memref<80xi32, #tpu.memory_space<smem>>) -> (i32, i32, i32) {
    %get3A = arith.index_cast %arg0 : i32 to index
    %get3A_0 = memref.load %arg1[%get3A] : memref<80xi32, #tpu.memory_space<smem>>
    %c0_i32 = arith.constant 0 : i32
    %c0_i32_1 = arith.constant 0 : i32
    %c0_i32_2 = arith.constant 0 : i32
    return %get3A_0, %c0_i32, %c0_i32_1 : i32, i32, i32
  }
  func.func @transform_2(%arg0: i32, %arg1: memref<80xi32, #tpu.memory_space<smem>>) -> (i32, i32, i32) {
    %get3A = arith.index_cast %arg0 : i32 to index
    %get3A_0 = memref.load %arg1[%get3A] : memref<80xi32, #tpu.memory_space<smem>>
    %c0_i32 = arith.constant 0 : i32
    %c0_i32_1 = arith.constant 0 : i32
    %c0_i32_2 = arith.constant 0 : i32
    return %get3A_0, %c0_i32, %c0_i32_1 : i32, i32, i32
  }
  func.func @transform_3(%arg0: i32, %arg1: memref<80xi32, #tpu.memory_space<smem>>) -> (i32, i32, i32) {
    %get3A = arith.index_cast %arg0 : i32 to index
    %get3A_0 = memref.load %arg1[%get3A] : memref<80xi32, #tpu.memory_space<smem>>
    %c0_i32 = arith.constant 0 : i32
    %c0_i32_1 = arith.constant 0 : i32
    %c0_i32_2 = arith.constant 0 : i32
    return %get3A_0, %c0_i32, %c0_i32_1 : i32, i32, i32
  }
  func.func @transform_4(%arg0: i32, %arg1: memref<80xi32, #tpu.memory_space<smem>>) -> (i32, i32, i32) {
    %get3A = arith.index_cast %arg0 : i32 to index
    %get3A_0 = memref.load %arg1[%get3A] : memref<80xi32, #tpu.memory_space<smem>>
    %c0_i32 = arith.constant 0 : i32
    %c0_i32_1 = arith.constant 0 : i32
    %c0_i32_2 = arith.constant 0 : i32
    return %get3A_0, %c0_i32, %c0_i32_1 : i32, i32, i32
  }
  func.func @transform_5(%arg0: i32, %arg1: memref<80xi32, #tpu.memory_space<smem>>) -> (i32, i32, i32) {
    %c0_i32 = arith.constant 0 : i32
    %c0_i32_0 = arith.constant 0 : i32
    %c0_i32_1 = arith.constant 0 : i32
    return %arg0, %c0_i32, %c0_i32_0 : i32, i32, i32
  }
  func.func @transform_6(%arg0: i32, %arg1: memref<80xi32, #tpu.memory_space<smem>>) -> (i32, i32) {
    %c0_i32 = arith.constant 0 : i32
    %c0_i32_0 = arith.constant 0 : i32
    return %arg0, %c0_i32 : i32, i32
  }
}

</mosaic_0001>

<sc_bundles>
// kernel: kernel.6.cloned.1.call-start
scs
__scs_entry_jumppad:
0x0: {  	(pc) =	sbr.rel $0x88, $3  }
0x1: {  	(tag) =	ssettag $0x0;
	lr =	simm.s32 $0x1  }
0x2: {  	[smem:$0x3F9A] =	sst lr;
	_ =	strace $0xD0000000  }
0x3: {  	_ = 	snop  }
0x4: {  	_ = 	snop  }
0x5: {  	_ = 	snop  }
0x6: {  	_ = 	snop  }
0x7: {  	_ = 	snop  }
__scs_overlays_trampoline_lowered:
0x8: {  	[smem:$0x3FA9] =	sst s0  }
0x9: {  	[smem:$0x3FAA] =	sst s1  }
0xa: {  	[smem:$0x3FAB] =	sst s2  }
0xb: {  	[smem:$0x3FAC] =	sst s3  }
0xc: {  	[smem:$0x3FAD] =	sst s4  }
0xd: {  	[smem:$0x3FAE] =	sst s5  }
0xe: {  	[smem:$0x3FAF] =	sst s6  }
0xf: {  	[smem:$0x3FB0] =	sst s7  }
0x10: {  	[smem:$0x3FB1] =	sst s8  }
0x11: {  	[smem:$0x3FB2] =	sst s9;
	s0 =	simm.s32 @!p0 $0x0  }
0x12: {  	s1 =	sld [smem:$0x3F98];
	s0 =	simm.s32 @p0 $0x1  }
0x13: {  	[smem:$0x3FB3] =	sst s0;
	s0 =	simm.s32 @!p1 $0x0  }
0x14: {  	s2 =	sld [smem:$0x3F97];
	s0 =	simm.s32 @p1 $0x1  }
0x15: {  	[smem:$0x3FB4] =	sst s0;
	s0 =	simm.s32 @!p2 $0x0  }
0x16: {  	s3 =	sld [smem:$0x3FDB];
	s0 =	simm.s32 @p2 $0x1  }
0x17: {  	s4 =	simm.s32 $0x1BF5;
	[smem:$0x3FB6] =	sst s0  }
0x18: {  	s0 =	sld [smem:$0x3F99];
	_ =	swait.ge [sflag:s4], $0x0  }
0x19: {  	s7 =	sld [smem:$0x3F9A]  }
0x1a: {  	s8 =	sadd.s32 $0xFFFFE003, lr  }
0x1b: {  	s9 =	sadd.s32 $0xFFFFFEF7, lr;
	s5 =	simm.s32 $0xFFFFFFFF;
	p2 =	slt.u32 s8, $0xFFFFF086  }
0x1c: {  	p1 =	slt.u32 s9, $0xF7A;
	s5 =	simm.s32 @!p2 $0x0  }
0x1d: {  	s5 =	simm.s32 @p1 $0x1;
	p0 =	seq.s32 s7, s2  }
0x1e: {  	s7 =	smul.u32 @!p0 $0xF7A, s2;
	p2 =	seq.s32 @!p0 s5, $0x0  }
0x1f: {  	s9 =	smul.u32 $0xF7A, s1;
	s8 =	simm.s32 @!p0 $0x1BF5;
	p2 =	por !p2, p0  }
0x20: {  	[sflag:s8] =	ssyncset.s32 @!p0 $0xFFFFF086;
	s6 =	sadd.s32 @!p0 s3, s7;
	s7 =	simm.s32 @!p0 $0x108  }
0x21: {  	s3 =	sadd.s32 s3, s9;
	s6 =	sadd.s32 @!p0 $0x88, s6;
	s7 =	simm.s32 @p2 $0x1082  }
0x22: {  	[simem:s7], [sflag:s8] =	dma.local @!p0 [hbm:s6], $0xF7A  }
0x23: {  	s9 =	sor.u32 $0xD0000000, s2;
	s6 =	simm.s32 $0x108;
	_ =	swait.ge @!p0 [sflag:s8], $0x0  }
0x24: {  	s3 =	sadd.s32 $0x88, s3;
	s6 =	simm.s32 @!p1 $0x1082;
	[sflag:s4] =	ssyncset.s32 $0xFFFFF086  }
0x25: {  	[simem:s6], [sflag:s4] =	dma.local [hbm:s3], $0xF7A  }
0x26: {  	[smem:$0x3F9A] =	sst s1;
	(tag) =	ssettag s2;
	_ =	strace s9  }
0x27: {  	s1 =	sld [smem:$0x3FAA]  }
0x28: {  	s2 =	sld [smem:$0x3FAB]  }
0x29: {  	s4 =	sld [smem:$0x3FAD]  }
0x2a: {  	p0 =	seq.s32 s5, $0x0;
	s5 =	sld [smem:$0x3FAE]  }
0x2b: {  	s6 =	sld [smem:$0x3FAF]  }
0x2c: {  	s7 =	sld [smem:$0x3FB0]  }
0x2d: {  	s3 =	simm.s32 $0x108;
	s8 =	sld [smem:$0x3FB1]  }
0x2e: {  	s3 =	simm.s32 @!p0 $0x1082;
	s9 =	sld [smem:$0x3FB2]  }
0x2f: {  	lr =	sadd.s32 s0, s3;
	s0 =	sld [smem:$0x3FA9]  }
0x30: {  	s3 =	sld [smem:$0x3FAC]  }
0x31: {  	[smem:$0x3FB5] =	sst s10  }
0x32: {  	s10 =	sld [smem:$0x3FB3];
	_ =	sdelay $0x3  }
0x33: {  	p0 =	seq.s32 s10, $0x1;
	s10 =	sld [smem:$0x3FB5];
	_ =	sdelay $0x3  }
0x34: {  	[smem:$0x3FB5] =	sst s10  }
0x35: {  	s10 =	sld [smem:$0x3FB4];
	_ =	sdelay $0x3  }
0x36: {  	p1 =	seq.s32 s10, $0x1;
	s10 =	sld [smem:$0x3FB5];
	_ =	sdelay $0x3  }
0x37: {  	[smem:$0x3FB5] =	sst s10  }
0x38: {  	s10 =	sld [smem:$0x3FB6]  }
0x39: {  	_ = 	snop;
	(pc) =	sbr.ind lr, $3  }
0x3a: {  	_ = 	snop  }
0x3b: {  	_ = 	snop  }
0x3c: {  	p2 =	seq.s32 s10, $0x1;
	s10 =	sld [smem:$0x3FB5]  }
0x3d: {  	_ =	shalt  }
0x3e: {  	_ =	shalt  }
0x3f: {  	_ =	shalt  }
0x40: {  	_ =	shalt  }
0x41: {  	_ =	shalt  }
0x42: {  	_ =	shalt  }
0x43: {  	_ =	shalt  }
0x44: {  	_ =	shalt  }
0x45: {  	_ =	shalt  }
0x46: {  	_ =	shalt  }
0x47: {  	_ =	shalt  }
0x48: {  	_ =	shalt  }
0x49: {  	_ =	shalt  }
0x4a: {  	_ =	shalt  }
0x4b: {  	_ =	shalt  }
0x4c: {  	_ =	shalt  }
0x4d: {  	_ =	shalt  }
0x4e: {  	_ =	shalt  }
0x4f: {  	_ =	shalt  }
0x50: {  	_ =	shalt  }
0x51: {  	_ =	shalt  }
0x52: {  	_ =	shalt  }
0x53: {  	_ =	shalt  }
0x54: {  	_ =	shalt  }
0x55: {  	_ =	shalt  }
0x56: {  	_ =	shalt  }
0x57: {  	_ =	shalt  }
0x58: {  	_ =	shalt  }
0x59: {  	_ =	shalt  }
0x5a: {  	_ =	shalt  }
0x5b: {  	_ =	shalt  }
0x5c: {  	_ =	shalt  }
0x5d: {  	_ =	shalt  }
0x5e: {  	_ =	shalt  }
0x5f: {  	_ =	shalt  }
0x60: {  	_ =	shalt  }
0x61: {  	_ =	shalt  }
0x62: {  	_ =	shalt  }
0x63: {  	_ =	shalt  }
0x64: {  	_ =	shalt  }
0x65: {  	_ =	shalt  }
0x66: {  	_ =	shalt  }
0x67: {  	_ =	shalt  }
0x68: {  	_ =	shalt  }
0x69: {  	_ =	shalt  }
0x6a: {  	_ =	shalt  }
0x6b: {  	_ =	shalt  }
0x6c: {  	_ =	shalt  }
0x6d: {  	_ =	shalt  }
0x6e: {  	_ =	shalt  }
0x6f: {  	_ =	shalt  }
0x70: {  	_ =	shalt  }
0x71: {  	_ =	shalt  }
0x72: {  	_ =	shalt  }
0x73: {  	_ =	shalt  }
0x74: {  	_ =	shalt  }
0x75: {  	_ =	shalt  }
0x76: {  	_ =	shalt  }
0x77: {  	_ =	shalt  }
0x78: {  	_ =	shalt  }
0x79: {  	_ =	shalt  }
0x7a: {  	_ =	shalt  }
0x7b: {  	_ =	shalt  }
0x7c: {  	_ =	shalt  }
0x7d: {  	_ =	shalt  }
0x7e: {  	_ =	shalt  }
0x7f: {  	_ =	shalt  }
0x80: {  	_ =	shalt  }
0x81: {  	_ =	shalt  }
0x82: {  	_ =	shalt  }
0x83: {  	_ =	shalt  }
0x84: {  	_ =	shalt  }
0x85: {  	_ =	shalt  }
0x86: {  	_ =	shalt  }
0x87: {  	_ =	shalt  }
.Lfunc_end0:
.L_simem_size_0:
called_computation_lowered:
.L_overlay_start_0:
0x88: {  	s2 =	sld [smem:$0x3FD9]  }
0x89: {  	s3 =	sld [smem:$0x3FFE];
	_ =	sdelay $0x1  }
0x8a: {  	s1 =	srdreg.scid  }
0x8b: {  	s0 =	sand.u32 $0x1, s1  }
0x8c: {  	s17 =	sshll.u32 s0, $0xA;
	s2 =	sadd.s32 s3, s2  }
0x8d: {  	s2 =	sadd.s32 s2, s17  }
0x8e: {  	[smem:$0x3FC1] =	sst s2  }
0x8f: {  	_ = 	snop  }
0x90: {  	s2 =	sld [smem:$0x3FC9]  }
0x91: {  	s18 =	sld [smem:$0x3FD0];
	(tm) =	ssettm $0x1  }
0x92: {  	s4 =	sld [smem:$0x3FFB];
	_ =	sdelay $0x3  }
0x93: {  	_ =	strace s4  }
0x94: {  	s4 =	sld [smem:$0x3FFC];
	_ =	sdelay $0x3  }
0x95: {  	_ =	strace s4  }
0x96: {  	s4 =	sld [smem:$0x3FFD];
	_ =	sdelay $0x3  }
0x97: {  	_ =	strace s4  }
0x98: {  	_ =	strace $0x8FFFFFFF  }
0x99: {  	s19 =	sld [smem:$0x3FDB];
	_ =	sdelay $0x1  }
0x9a: {  	s5 =	simm.s32 $_scs_section_size  }
0x9b: {  	s6 =	simm.s32 $_size__tile_overlayer_lowered;
	s7 =	simm.s32 $_tile_overlayer_lowered  }
0x9c: {  	s22 =	simm.s32 $0x1BFF;
	s21 =	sshll.u32 s7, $0x1;
	s4 =	sadd.s32 s5, s19  }
0x9d: {  	s8 =	simm.s32 $0x0;
	s20 =	sshll.u32 s6, $0x1;
	s6 =	sadd.s32 s21, s4  }
0x9e: {  	[timem:s8], [sflag:s22] =	dma.local [hbm:s6], s20  }
0x9f: {  	_ =	swait.ge [sflag:s22], s20  }
0xa0: {  	s5 =	ssub.s32 $0x0, s20;
	[sflag:s22] =	ssyncset.done $0x0  }
0xa1: {  	[sflag:s22] =	ssyncadd.s32 s5;
	_ =	sdelay $0x1  }
0xa2: {  	s23 =	simm.s32 $0x1B8B  }
0xa3: {  	_ =	swait.ge [sflag:s23], $0x1  }
0xa4: {  	[sflag:s23] =	ssyncset.done $0x0  }
0xa5: {  	s25 =	simm.s32 $0x1B8E;
	s24 =	sld [smem:$0x3FFE];
	[sflag:s23] =	ssyncadd.s32 $0xFFFFFFFF  }
0xa6: {  	s26 =	simm.s32 $execute0_lowered;
	[smem:$0x3FD2] =	sst s25  }
0xa7: {  	s6 =	sshll.u32 s26, $0x1;
	_ =	strace $0x80000046;
	[dreg:$0x1] =	wrdreg $0xFFFFFFFF  }
0xa8: {  	s28 =	simm.s32 $_size_execute0_lowered;
	s4 =	sadd.s32 s4, s6;
	[dreg:$0x0] =	wrdreg $0x0  }
0xa9: {  	s6 =	sshll.u32 s28, $0x1;
	[dreg:$0x2] =	wrdreg s4  }
0xaa: {  	[dreg:$0x3] =	wrdreg s6  }
0xab: {  	[dreg:$0x4] =	wrdreg $0xC0  }
0xac: {  	_ =	task [dreg:s8], $0x5FFFF  }
0xad: {  	[dreg:$0x1] =	wrdreg $0xFFFFFFFF  }
0xae: {  	[dreg:$0x0] =	wrdreg $0x60  }
0xaf: {  	[dreg:$0x2] =	wrdreg s2  }
0xb0: {  	[dreg:$0x3] =	wrdreg s18  }
0xb1: {  	[dreg:$0x4] =	wrdreg s24  }
0xb2: {  	[dreg:$0x5] =	wrdreg $0x9  }
0xb3: {  	_ =	task.clear_ibuf [dreg:s8], $0x6FFFF;
	_ =	strace $0x90000046  }
0xb4: {  	s29 =	simm.s32 $0x9;
	_ =	strace $0x80000048  }
0xb5: {  	_ =	swait.ge [sflag:s29], $0x1  }
0xb6: {  	[sflag:s29] =	ssyncadd.s32 $0xFFFFFFFF  }
0xb7: {  	_ =	strace $0x90000048  }
0xb8: {  	_ =	sfence  }
0xb9: {  	s30 =	sld [smem:$0x0];
	_ =	sdelay $0x2  }
0xba: {  	s31 =	sshll.u32 s1, $0xD;
	s1 =	sshrl.u32 s1, $0x2  }
0xbb: {  	s3 =	sand.u32 $0x4000, s31;
	s1 =	sadd.s32 s1, s30  }
0xbc: {  	s0 =	sor.u32 s3, s0;
	s1 =	sshll.u32 s1, $0x11  }
0xbd: {  	s0 =	sor.u32 s1, s0  }
0xbe: {  	s0 =	sadd.s32 $0x8F2B, s0  }
0xbf: {  	[sflag:s0] =	ssyncadd.remote.s32 $0x1  }
0xc0: {  	_ =	sfence.sel $0xFFFF  }
0xc1: {  	[dreg:$0x0] =	wrdreg $0xFFFFFFFF;
	(pc) =	sbr.abs _section_cstart, $3  }
0xc2: {  	[dreg:$0x1] =	wrdreg $0xFFFFFFFF  }
0xc3: {  	_ =	task.clear_ibuf [dreg:s8], $0x2FFFF;
	_ =	strace $0x9FFFFFFF  }
0xc4: {  	(tm) =	ssettm $0x7FFFFFFF  }
0xc5: {  	_ =	shalt  }
tec
execute0_lowered:
.L_overlay_start_1:
0x0: {  	(tag) =	ssettag $0x1  }
0x1: {  	s1 =	rddreg [dreg:$0x0]  }
0x2: {  	s3 =	rddreg [dreg:$0x1];
	s2 =	srdreg.scid  }
0x3: {  	s0 =	stileid.u32;
	s5 =	rddreg [dreg:$0x2];
	s8 =	simm.s32 $0x80  }
0x4: {  	s26 =	simm.s32 $0x880;
	s9 =	simm.s32 $0x1080;
	s10 =	simm.s32 $0x1880  }
0x5: {  	s11 =	simm.s32 $0x2080;
	s12 =	simm.s32 $0x2880;
	s13 =	simm.s32 $0x3080  }
0x6: {  	s14 =	simm.s32 $0x3880;
	s15 =	simm.s32 $0x4080;
	s16 =	simm.s32 $0x4880  }
0x7: {  	s17 =	simm.s32 $0x5080;
	s18 =	simm.s32 $0x5880;
	s19 =	simm.s32 $0x6080  }
0x8: {  	s20 =	simm.s32 $0x6880;
	s21 =	simm.s32 $0x7080;
	s22 =	simm.s32 $0x7880  }
0x9: {  	s23 =	simm.s32 $0x8080;
	s28 =	simm.s32 $0xA080;
	s29 =	simm.s32 $0xA880  }
0xa: {  	s30 =	simm.s32 $0xB080;
	s4 =	sand.u32 $0x1, s2;
	s6 =	sshll.u32 s0, $0x1  }
0xb: {  	s31 =	simm.s32 $0xB880;
	s2 =	simm.s32 $0x0;
	s6 =	sor.u32 s4, s6  }
0xc: {  	[smem:$0x7FF] =	sst s2;
	s4 =	ssub.s32 $0x2, s4;
	s7 =	sshll.u32 s6, $0x4  }
0xd: {  	s6 =	smul.u32 $0x1800, s6;
	_ =	strace $0x80000047;
	s24 =	sshrl.u32 s4, $0x1  }
0xe: {  	[dreg:$0x6] =	wrdreg s26;
	s26 =	simm.s32 $0x9880;
	s3 =	sadd.s32 s3, s7  }
0xf: {  	s25 =	ssub.s32 s4, s24;
	s4 =	sadd.s32 $0x1500, s5;
	s7 =	simm.s32 $0x2  }
0x10: {  	v2 =	vlaneseq.u32;
	s24 =	simm.s32 $0x8880;
	[dreg:$0x4] =	wrdreg s3;
	s1 =	sadd.s32 s1, s6  }
0x11: {  	vm0 =	vmmov $0xffff;
	v1 =	vshrl.u32 v2, $0x3;
	s3 =	sadd.s32 $0x1400, s5;
	s5 =	sadd.s32 $0x1600, s5;
	s6 =	smax.u32 s25, $0x1  }
0x12: {  	v0 =	vand.u32 $0x7, v2;
	v2 =	vor.u32 $0x8, v2;
	v1 =	vmul.u32 $0x8, v1;
	s25 =	simm.s32 $0x9080;
	[dreg:$0x5] =	wrdreg s1;
	s1 =	simm.s32 $0x1  }
.LBB2_1:
0x13: {  	s0 =	rddreg [dreg:$0x4]  }
0x14: {  	[tilespmem:s2], [sflag:$0x2] =	stream.linear.gather [hbm4b:s0+s2], $0x80, $0x38;
	[tilespmem:$0xC080] =	vst v63  }
0x15: {  	_ =	swait.ge [sflag:s7], $0x80  }
0x16: {  	[sflag:s7] =	ssyncset.done $0x0  }
0x17: {  	s0 =	rddreg [dreg:$0x5];
	[sflag:s7] =	ssyncadd.s32 $0xFFFFFF80  }
0x18: {  	[tilespmem:s8], [sflag:$0x2] =	stream.linear.gather [hbm4b:s0+s2], $0xC000, $0x38;
	[tilespmem:$0xC080] =	vst v63  }
0x19: {  	_ =	swait.ge [sflag:s7], $0xC000  }
0x1a: {  	[sflag:s7] =	ssyncset.done $0x0  }
0x1b: {  	[sflag:s7] =	ssyncadd.s32 $0xFFFF4000  }
0x1c: {  	v3 =	vld [tilespmem:$0x0];
	_ =	sdelay $0x4  }
0x1d: {  	v4 =	vshrl.u32 v3, $0x3  }
0x1e: {  	v4 =	vmul.u32 $0x30, v4  }
0x1f: {  	v3 =	vand.u32 $0x7, v3  }
0x20: {  	v3 =	vor.u32 v3, v4  }
0x21: {  	v4 =	vperm.xlane v3, v0;
	_ =	sdelay $0x1  }
0x22: {  	v4 =	vadd.s32 v1, v4;
	_ =	sdelay $0x3  }
0x23: {  	v3 =	vperm.xlane v3, v2  }
0x24: {  	[hbm4b:s3+s2] =	stream.indirect_vreg.scatter [tilespmem:s8], [sflag:$0x1], $0x80, v4, vm0, $0xb8;
	[tilespmem:$0xC080] =	vst v63  }
0x25: {  	s0 =	rddreg [dreg:$0x6];
	v3 =	vadd.s32 v1, v3  }
0x26: {  	[hbm4b:s4+s2] =	stream.indirect_vreg.scatter [tilespmem:s0], [sflag:$0x1], $0x80, v4, vm0, $0xb8;
	[tilespmem:$0xC080] =	vst v63  }
0x27: {  	_ = 	snop  }
0x28: {  	[hbm4b:s5+s2] =	stream.indirect_vreg.scatter [tilespmem:s9], [sflag:$0x1], $0x80, v4, vm0, $0xb8;
	[tilespmem:$0xC080] =	vst v63  }
0x29: {  	_ = 	snop  }
0x2a: {  	[hbm4b:s3+s2] =	stream.indirect_vreg.scatter [tilespmem:s10], [sflag:$0x1], $0x80, v3, vm0, $0xb8;
	[tilespmem:$0xC080] =	vst v63  }
0x2b: {  	_ = 	snop  }
0x2c: {  	[hbm4b:s4+s2] =	stream.indirect_vreg.scatter [tilespmem:s11], [sflag:$0x1], $0x80, v3, vm0, $0xb8;
	[tilespmem:$0xC080] =	vst v63  }
0x2d: {  	_ = 	snop  }
0x2e: {  	[hbm4b:s5+s2] =	stream.indirect_vreg.scatter [tilespmem:s12], [sflag:$0x1], $0x80, v3, vm0, $0xb8;
	[tilespmem:$0xC080] =	vst v63  }
0x2f: {  	v3 =	vld [tilespmem:$0x10];
	_ =	sdelay $0x4  }
0x30: {  	v61 =	vshrl.u32 v3, $0x3  }
0x31: {  	v4 =	vmul.u32 $0x30, v61  }
0x32: {  	v3 =	vand.u32 $0x7, v3  }
0x33: {  	v3 =	vor.u32 v3, v4  }
0x34: {  	v4 =	vperm.xlane v3, v0;
	_ =	sdelay $0x1  }
0x35: {  	v4 =	vadd.s32 v1, v4;
	_ =	sdelay $0x3  }
0x36: {  	v3 =	vperm.xlane v3, v2  }
0x37: {  	[hbm4b:s3+s2] =	stream.indirect_vreg.scatter [tilespmem:s13], [sflag:$0x1], $0x80, v4, vm0, $0xb8;
	[tilespmem:$0xC080] =	vst v63  }
0x38: {  	v3 =	vadd.s32 v1, v3  }
0x39: {  	[hbm4b:s4+s2] =	stream.indirect_vreg.scatter [tilespmem:s14], [sflag:$0x1], $0x80, v4, vm0, $0xb8;
	[tilespmem:$0xC080] =	vst v63  }
0x3a: {  	_ = 	snop  }
0x3b: {  	[hbm4b:s5+s2] =	stream.indirect_vreg.scatter [tilespmem:s15], [sflag:$0x1], $0x80, v4, vm0, $0xb8;
	[tilespmem:$0xC080] =	vst v63  }
0x3c: {  	_ = 	snop  }
0x3d: {  	[hbm4b:s3+s2] =	stream.indirect_vreg.scatter [tilespmem:s16], [sflag:$0x1], $0x80, v3, vm0, $0xb8;
	[tilespmem:$0xC080] =	vst v63  }
0x3e: {  	_ = 	snop  }
0x3f: {  	[hbm4b:s4+s2] =	stream.indirect_vreg.scatter [tilespmem:s17], [sflag:$0x1], $0x80, v3, vm0, $0xb8;
	[tilespmem:$0xC080] =	vst v63  }
0x40: {  	_ = 	snop  }
0x41: {  	[hbm4b:s5+s2] =	stream.indirect_vreg.scatter [tilespmem:s18], [sflag:$0x1], $0x80, v3, vm0, $0xb8;
	[tilespmem:$0xC080] =	vst v63  }
0x42: {  	v3 =	vld [tilespmem:$0x20];
	_ =	sdelay $0x4  }
0x43: {  	v62 =	vshrl.u32 v3, $0x3  }
0x44: {  	v4 =	vmul.u32 $0x30, v62  }
0x45: {  	v3 =	vand.u32 $0x7, v3  }
0x46: {  	v3 =	vor.u32 v3, v4  }
0x47: {  	v4 =	vperm.xlane v3, v0;
	_ =	sdelay $0x1  }
0x48: {  	v4 =	vadd.s32 v1, v4;
	_ =	sdelay $0x3  }
0x49: {  	v3 =	vperm.xlane v3, v2  }
0x4a: {  	[hbm4b:s3+s2] =	stream.indirect_vreg.scatter [tilespmem:s19], [sflag:$0x1], $0x80, v4, vm0, $0xb8;
	[tilespmem:$0xC080] =	vst v63  }
0x4b: {  	v3 =	vadd.s32 v1, v3  }
0x4c: {  	[hbm4b:s4+s2] =	stream.indirect_vreg.scatter [tilespmem:s20], [sflag:$0x1], $0x80, v4, vm0, $0xb8;
	[tilespmem:$0xC080] =	vst v63  }
0x4d: {  	_ = 	snop  }
0x4e: {  	[hbm4b:s5+s2] =	stream.indirect_vreg.scatter [tilespmem:s21], [sflag:$0x1], $0x80, v4, vm0, $0xb8;
	[tilespmem:$0xC080] =	vst v63  }
0x4f: {  	_ = 	snop  }
0x50: {  	[hbm4b:s3+s2] =	stream.indirect_vreg.scatter [tilespmem:s22], [sflag:$0x1], $0x80, v3, vm0, $0xb8;
	[tilespmem:$0xC080] =	vst v63  }
0x51: {  	_ = 	snop  }
0x52: {  	[hbm4b:s4+s2] =	stream.indirect_vreg.scatter [tilespmem:s23], [sflag:$0x1], $0x80, v3, vm0, $0xb8;
	[tilespmem:$0xC080] =	vst v63  }
0x53: {  	_ = 	snop  }
0x54: {  	[hbm4b:s5+s2] =	stream.indirect_vreg.scatter [tilespmem:s24], [sflag:$0x1], $0x80, v3, vm0, $0xb8;
	[tilespmem:$0xC080] =	vst v63  }
0x55: {  	v3 =	vld [tilespmem:$0x30];
	_ =	sdelay $0x4  }
0x56: {  	v63 =	vshrl.u32 v3, $0x3  }
0x57: {  	v4 =	vmul.u32 $0x30, v63  }
0x58: {  	v3 =	vand.u32 $0x7, v3  }
0x59: {  	v3 =	vor.u32 v3, v4  }
0x5a: {  	v4 =	vperm.xlane v3, v0;
	_ =	sdelay $0x1  }
0x5b: {  	v4 =	vadd.s32 v1, v4;
	_ =	sdelay $0x3  }
0x5c: {  	v3 =	vperm.xlane v3, v2  }
0x5d: {  	[hbm4b:s3+s2] =	stream.indirect_vreg.scatter [tilespmem:s25], [sflag:$0x1], $0x80, v4, vm0, $0xb8;
	[tilespmem:$0xC080] =	vst v63  }
0x5e: {  	v3 =	vadd.s32 v1, v3  }
0x5f: {  	[hbm4b:s4+s2] =	stream.indirect_vreg.scatter [tilespmem:s26], [sflag:$0x1], $0x80, v4, vm0, $0xb8;
	[tilespmem:$0xC080] =	vst v63  }
0x60: {  	_ = 	snop  }
0x61: {  	[hbm4b:s5+s2] =	stream.indirect_vreg.scatter [tilespmem:s28], [sflag:$0x1], $0x80, v4, vm0, $0xb8;
	[tilespmem:$0xC080] =	vst v63  }
0x62: {  	_ = 	snop  }
0x63: {  	[hbm4b:s3+s2] =	stream.indirect_vreg.scatter [tilespmem:s29], [sflag:$0x1], $0x80, v3, vm0, $0xb8;
	[tilespmem:$0xC080] =	vst v63  }
0x64: {  	p0 =	sne.s32 s6, $0x1  }
0x65: {  	[hbm4b:s4+s2] =	stream.indirect_vreg.scatter [tilespmem:s30], [sflag:$0x1], $0x80, v3, vm0, $0xb8;
	[tilespmem:$0xC080] =	vst v63  }
.Ltmp0:
0x66: {  	_ = 	snop;
	(pc) =	sbr.rel @p0 .LBB2_1-.Ltmp0, $4  }
0x67: {  	[hbm4b:s5+s2] =	stream.indirect_vreg.scatter [tilespmem:s31], [sflag:$0x1], $0x80, v3, vm0, $0xb8;
	[tilespmem:$0xC080] =	vst v63  }
0x68: {  	_ =	swait.ge [sflag:s1], $0xC000  }
0x69: {  	[sflag:s1] =	ssyncset.done $0x0  }
0x6a: {  	s6 =	sadd.s32 $0xFFFFFFFF, s6;
	[sflag:s1] =	ssyncadd.s32 $0xFFFF4000  }
0x6b: {  	_ =	sfence.sel $0x180000  }
0x6c: {  	[bflag:$0x0] =	sbarrier.arrive $0xFFFF  }
0x6d: {  	_ =	strace $0x90000047  }
0x6e: {  	s0 =	stileid.u32;
	[bflag:$0x2] =	sbarrier.arrive $0xFFFF  }
0x6f: {  	p0 =	sne.s32 s0, $0x0;
	s0 =	rddreg [dreg:$0x3]  }
0x70: {  	s0 =	sadd.s32 @!p0 $0x100000, s0  }
0x71: {  	[sflag:s0] =	ssyncadd.tile.s32 @!p0 $0x1;
	_ =	shalt  }
.Lfunc_end2:
_tile_overlayer_lowered:
.L_overlay_start_2:
0x72: {  	(tag) =	ssettag $0x2  }
0x73: {  	s0 =	rddreg [dreg:$0x0];
	s2 =	stileid.u32  }
0x74: {  	s1 =	rddreg [dreg:$0x1];
	p0 =	sne.s32 s2, $0x0  }
0x75: {  	s3 =	rddreg [dreg:$0x2];
	[bflag:$0x3] =	sbarrier.arrive $0xFFFF;
	s2 =	simm.s32 @!p0 $0x1C02  }
0x76: {  	[timem:s3], [sflag:s2] =	dma.local @!p0 [hbm:s0], s1  }
0x77: {  	s0 =	simm.s32 @!p0 $0x2  }
0x78: {  	_ =	swait.ge @!p0 [sflag:s0], s1  }
0x79: {  	s1 =	ssub.s32 @!p0 $0x0, s1;
	[sflag:s0] =	ssyncset.done @!p0 $0x0  }
0x7a: {  	[sflag:s0] =	ssyncadd.s32 @!p0 s1  }
0x7b: {  	[bflag:$0x3] =	sbarrier.arrive $0xFFFF  }
0x7c: {  	_ =	shalt  }

// kernel: kernel.9.cloned.1.call-start
scs
__scs_entry_jumppad:
0x0: {  	(pc) =	sbr.rel $0x88, $3  }
0x1: {  	(tag) =	ssettag $0x0;
	lr =	simm.s32 $0x1  }
0x2: {  	[smem:$0x3F9A] =	sst lr;
	_ =	strace $0xD0000000  }
0x3: {  	_ = 	snop  }
0x4: {  	_ = 	snop  }
0x5: {  	_ = 	snop  }
0x6: {  	_ = 	snop  }
0x7: {  	_ = 	snop  }
__scs_overlays_trampoline_lowered:
0x8: {  	[smem:$0x3FA9] =	sst s0  }
0x9: {  	[smem:$0x3FAA] =	sst s1  }
0xa: {  	[smem:$0x3FAB] =	sst s2  }
0xb: {  	[smem:$0x3FAC] =	sst s3  }
0xc: {  	[smem:$0x3FAD] =	sst s4  }
0xd: {  	[smem:$0x3FAE] =	sst s5  }
0xe: {  	[smem:$0x3FAF] =	sst s6  }
0xf: {  	[smem:$0x3FB0] =	sst s7  }
0x10: {  	[smem:$0x3FB1] =	sst s8  }
0x11: {  	[smem:$0x3FB2] =	sst s9;
	s0 =	simm.s32 @!p0 $0x0  }
0x12: {  	s1 =	sld [smem:$0x3F98];
	s0 =	simm.s32 @p0 $0x1  }
0x13: {  	[smem:$0x3FB3] =	sst s0;
	s0 =	simm.s32 @!p1 $0x0  }
0x14: {  	s2 =	sld [smem:$0x3F97];
	s0 =	simm.s32 @p1 $0x1  }
0x15: {  	[smem:$0x3FB4] =	sst s0;
	s0 =	simm.s32 @!p2 $0x0  }
0x16: {  	s3 =	sld [smem:$0x3FDB];
	s0 =	simm.s32 @p2 $0x1  }
0x17: {  	s4 =	simm.s32 $0x1BF5;
	[smem:$0x3FB6] =	sst s0  }
0x18: {  	s0 =	sld [smem:$0x3F99];
	_ =	swait.ge [sflag:s4], $0x0  }
0x19: {  	s7 =	sld [smem:$0x3F9A]  }
0x1a: {  	s8 =	sadd.s32 $0xFFFFE003, lr  }
0x1b: {  	s9 =	sadd.s32 $0xFFFFFEF7, lr;
	s5 =	simm.s32 $0xFFFFFFFF;
	p2 =	slt.u32 s8, $0xFFFFF086  }
0x1c: {  	p1 =	slt.u32 s9, $0xF7A;
	s5 =	simm.s32 @!p2 $0x0  }
0x1d: {  	s5 =	simm.s32 @p1 $0x1;
	p0 =	seq.s32 s7, s2  }
0x1e: {  	s7 =	smul.u32 @!p0 $0xF7A, s2;
	p2 =	seq.s32 @!p0 s5, $0x0  }
0x1f: {  	s9 =	smul.u32 $0xF7A, s1;
	s8 =	simm.s32 @!p0 $0x1BF5;
	p2 =	por !p2, p0  }
0x20: {  	[sflag:s8] =	ssyncset.s32 @!p0 $0xFFFFF086;
	s6 =	sadd.s32 @!p0 s3, s7;
	s7 =	simm.s32 @!p0 $0x108  }
0x21: {  	s3 =	sadd.s32 s3, s9;
	s6 =	sadd.s32 @!p0 $0x88, s6;
	s7 =	simm.s32 @p2 $0x1082  }
0x22: {  	[simem:s7], [sflag:s8] =	dma.local @!p0 [hbm:s6], $0xF7A  }
0x23: {  	s9 =	sor.u32 $0xD0000000, s2;
	s6 =	simm.s32 $0x108;
	_ =	swait.ge @!p0 [sflag:s8], $0x0  }
0x24: {  	s3 =	sadd.s32 $0x88, s3;
	s6 =	simm.s32 @!p1 $0x1082;
	[sflag:s4] =	ssyncset.s32 $0xFFFFF086  }
0x25: {  	[simem:s6], [sflag:s4] =	dma.local [hbm:s3], $0xF7A  }
0x26: {  	[smem:$0x3F9A] =	sst s1;
	(tag) =	ssettag s2;
	_ =	strace s9  }
0x27: {  	s1 =	sld [smem:$0x3FAA]  }
0x28: {  	s2 =	sld [smem:$0x3FAB]  }
0x29: {  	s4 =	sld [smem:$0x3FAD]  }
0x2a: {  	p0 =	seq.s32 s5, $0x0;
	s5 =	sld [smem:$0x3FAE]  }
0x2b: {  	s6 =	sld [smem:$0x3FAF]  }
0x2c: {  	s7 =	sld [smem:$0x3FB0]  }
0x2d: {  	s3 =	simm.s32 $0x108;
	s8 =	sld [smem:$0x3FB1]  }
0x2e: {  	s3 =	simm.s32 @!p0 $0x1082;
	s9 =	sld [smem:$0x3FB2]  }
0x2f: {  	lr =	sadd.s32 s0, s3;
	s0 =	sld [smem:$0x3FA9]  }
0x30: {  	s3 =	sld [smem:$0x3FAC]  }
0x31: {  	[smem:$0x3FB5] =	sst s10  }
0x32: {  	s10 =	sld [smem:$0x3FB3];
	_ =	sdelay $0x3  }
0x33: {  	p0 =	seq.s32 s10, $0x1;
	s10 =	sld [smem:$0x3FB5];
	_ =	sdelay $0x3  }
0x34: {  	[smem:$0x3FB5] =	sst s10  }
0x35: {  	s10 =	sld [smem:$0x3FB4];
	_ =	sdelay $0x3  }
0x36: {  	p1 =	seq.s32 s10, $0x1;
	s10 =	sld [smem:$0x3FB5];
	_ =	sdelay $0x3  }
0x37: {  	[smem:$0x3FB5] =	sst s10  }
0x38: {  	s10 =	sld [smem:$0x3FB6]  }
0x39: {  	_ = 	snop;
	(pc) =	sbr.ind lr, $3  }
0x3a: {  	_ = 	snop  }
0x3b: {  	_ = 	snop  }
0x3c: {  	p2 =	seq.s32 s10, $0x1;
	s10 =	sld [smem:$0x3FB5]  }
0x3d: {  	_ =	shalt  }
0x3e: {  	_ =	shalt  }
0x3f: {  	_ =	shalt  }
0x40: {  	_ =	shalt  }
0x41: {  	_ =	shalt  }
0x42: {  	_ =	shalt  }
0x43: {  	_ =	shalt  }
0x44: {  	_ =	shalt  }
0x45: {  	_ =	shalt  }
0x46: {  	_ =	shalt  }
0x47: {  	_ =	shalt  }
0x48: {  	_ =	shalt  }
0x49: {  	_ =	shalt  }
0x4a: {  	_ =	shalt  }
0x4b: {  	_ =	shalt  }
0x4c: {  	_ =	shalt  }
0x4d: {  	_ =	shalt  }
0x4e: {  	_ =	shalt  }
0x4f: {  	_ =	shalt  }
0x50: {  	_ =	shalt  }
0x51: {  	_ =	shalt  }
0x52: {  	_ =	shalt  }
0x53: {  	_ =	shalt  }
0x54: {  	_ =	shalt  }
0x55: {  	_ =	shalt  }
0x56: {  	_ =	shalt  }
0x57: {  	_ =	shalt  }
0x58: {  	_ =	shalt  }
0x59: {  	_ =	shalt  }
0x5a: {  	_ =	shalt  }
0x5b: {  	_ =	shalt  }
0x5c: {  	_ =	shalt  }
0x5d: {  	_ =	shalt  }
0x5e: {  	_ =	shalt  }
0x5f: {  	_ =	shalt  }
0x60: {  	_ =	shalt  }
0x61: {  	_ =	shalt  }
0x62: {  	_ =	shalt  }
0x63: {  	_ =	shalt  }
0x64: {  	_ =	shalt  }
0x65: {  	_ =	shalt  }
0x66: {  	_ =	shalt  }
0x67: {  	_ =	shalt  }
0x68: {  	_ =	shalt  }
0x69: {  	_ =	shalt  }
0x6a: {  	_ =	shalt  }
0x6b: {  	_ =	shalt  }
0x6c: {  	_ =	shalt  }
0x6d: {  	_ =	shalt  }
0x6e: {  	_ =	shalt  }
0x6f: {  	_ =	shalt  }
0x70: {  	_ =	shalt  }
0x71: {  	_ =	shalt  }
0x72: {  	_ =	shalt  }
0x73: {  	_ =	shalt  }
0x74: {  	_ =	shalt  }
0x75: {  	_ =	shalt  }
0x76: {  	_ =	shalt  }
0x77: {  	_ =	shalt  }
0x78: {  	_ =	shalt  }
0x79: {  	_ =	shalt  }
0x7a: {  	_ =	shalt  }
0x7b: {  	_ =	shalt  }
0x7c: {  	_ =	shalt  }
0x7d: {  	_ =	shalt  }
0x7e: {  	_ =	shalt  }
0x7f: {  	_ =	shalt  }
0x80: {  	_ =	shalt  }
0x81: {  	_ =	shalt  }
0x82: {  	_ =	shalt  }
0x83: {  	_ =	shalt  }
0x84: {  	_ =	shalt  }
0x85: {  	_ =	shalt  }
0x86: {  	_ =	shalt  }
0x87: {  	_ =	shalt  }
.Lfunc_end0:
.L_simem_size_0:
called_computation.1_lowered:
.L_overlay_start_0:
0x88: {  	s2 =	sld [smem:$0x3FD9]  }
0x89: {  	s3 =	sld [smem:$0x3FFE];
	_ =	sdelay $0x1  }
0x8a: {  	s1 =	srdreg.scid  }
0x8b: {  	s0 =	sand.u32 $0x1, s1  }
0x8c: {  	s17 =	sshll.u32 s0, $0xA;
	s2 =	sadd.s32 s3, s2  }
0x8d: {  	s2 =	sadd.s32 s2, s17  }
0x8e: {  	[smem:$0x3FC1] =	sst s2  }
0x8f: {  	_ = 	snop  }
0x90: {  	s2 =	sld [smem:$0x3FD0];
	(tm) =	ssettm $0x1  }
0x91: {  	s18 =	sld [smem:$0x3FFB];
	_ =	sdelay $0x3  }
0x92: {  	_ =	strace s18  }
0x93: {  	s3 =	sld [smem:$0x3FFC];
	_ =	sdelay $0x3  }
0x94: {  	_ =	strace s3  }
0x95: {  	s3 =	sld [smem:$0x3FFD];
	_ =	sdelay $0x3  }
0x96: {  	_ =	strace s3  }
0x97: {  	_ =	strace $0x8FFFFFFF  }
0x98: {  	s19 =	sld [smem:$0x3FDB];
	_ =	sdelay $0x1  }
0x99: {  	s4 =	simm.s32 $_scs_section_size  }
0x9a: {  	s5 =	simm.s32 $_size__tile_overlayer_lowered;
	s6 =	simm.s32 $_tile_overlayer_lowered  }
0x9b: {  	s22 =	simm.s32 $0x1BFF;
	s21 =	sshll.u32 s6, $0x1;
	s3 =	sadd.s32 s4, s19  }
0x9c: {  	s7 =	simm.s32 $0x0;
	s20 =	sshll.u32 s5, $0x1;
	s5 =	sadd.s32 s21, s3  }
0x9d: {  	[timem:s7], [sflag:s22] =	dma.local [hbm:s5], s20  }
0x9e: {  	_ =	swait.ge [sflag:s22], s20  }
0x9f: {  	s4 =	ssub.s32 $0x0, s20;
	[sflag:s22] =	ssyncset.done $0x0  }
0xa0: {  	[sflag:s22] =	ssyncadd.s32 s4;
	_ =	sdelay $0x1  }
0xa1: {  	s23 =	simm.s32 $0x1B8B  }
0xa2: {  	_ =	swait.ge [sflag:s23], $0x1  }
0xa3: {  	[sflag:s23] =	ssyncset.done $0x0  }
0xa4: {  	s25 =	simm.s32 $0x1B8E;
	s24 =	sld [smem:$0x3FFE];
	[sflag:s23] =	ssyncadd.s32 $0xFFFFFFFF  }
0xa5: {  	s26 =	simm.s32 $execute0_lowered;
	[smem:$0x3FD2] =	sst s25  }
0xa6: {  	s5 =	sshll.u32 s26, $0x1;
	_ =	strace $0x80000049;
	[dreg:$0x1] =	wrdreg $0xFFFFFFFF  }
0xa7: {  	s28 =	simm.s32 $_size_execute0_lowered;
	s3 =	sadd.s32 s3, s5;
	[dreg:$0x0] =	wrdreg $0x0  }
0xa8: {  	s5 =	sshll.u32 s28, $0x1;
	[dreg:$0x2] =	wrdreg s3  }
0xa9: {  	[dreg:$0x3] =	wrdreg s5  }
0xaa: {  	[dreg:$0x4] =	wrdreg $0xC0  }
0xab: {  	_ =	task [dreg:s7], $0x5FFFF  }
0xac: {  	[dreg:$0x1] =	wrdreg $0xFFFFFFFF  }
0xad: {  	[dreg:$0x0] =	wrdreg $0x60  }
0xae: {  	[dreg:$0x2] =	wrdreg s24  }
0xaf: {  	[dreg:$0x3] =	wrdreg s2  }
0xb0: {  	[dreg:$0x4] =	wrdreg $0x9  }
0xb1: {  	_ =	task.clear_ibuf [dreg:s7], $0x5FFFF;
	_ =	strace $0x90000049  }
0xb2: {  	s29 =	simm.s32 $0x9;
	_ =	strace $0x8000004B  }
0xb3: {  	_ =	swait.ge [sflag:s29], $0x1  }
0xb4: {  	[sflag:s29] =	ssyncadd.s32 $0xFFFFFFFF  }
0xb5: {  	_ =	strace $0x9000004B  }
0xb6: {  	_ =	sfence  }
0xb7: {  	s30 =	sld [smem:$0x0];
	_ =	sdelay $0x2  }
0xb8: {  	s31 =	sshll.u32 s1, $0xD;
	s1 =	sshrl.u32 s1, $0x2  }
0xb9: {  	s3 =	sand.u32 $0x4000, s31;
	s1 =	sadd.s32 s1, s30  }
0xba: {  	s0 =	sor.u32 s3, s0;
	s1 =	sshll.u32 s1, $0x11  }
0xbb: {  	s0 =	sor.u32 s1, s0  }
0xbc: {  	s0 =	sadd.s32 $0x8F2B, s0  }
0xbd: {  	[sflag:s0] =	ssyncadd.remote.s32 $0x1  }
0xbe: {  	_ =	sfence.sel $0xFFFF  }
0xbf: {  	[dreg:$0x0] =	wrdreg $0xFFFFFFFF;
	(pc) =	sbr.abs _section_cstart, $3  }
0xc0: {  	[dreg:$0x1] =	wrdreg $0xFFFFFFFF  }
0xc1: {  	_ =	task.clear_ibuf [dreg:s7], $0x2FFFF;
	_ =	strace $0x9FFFFFFF  }
0xc2: {  	(tm) =	ssettm $0x7FFFFFFF  }
0xc3: {  	_ =	shalt  }
tec
execute0_lowered:
.L_overlay_start_1:
0x0: {  	(tag) =	ssettag $0x1  }
0x1: {  	s0 =	rddreg [dreg:$0x0]  }
0x2: {  	s5 =	rddreg [dreg:$0x1];
	s3 =	srdreg.scid  }
0x3: {  	s2 =	simm.s32 $0x0;
	s1 =	stileid.u32;
	s26 =	simm.s32 $0x880  }
0x4: {  	s10 =	simm.s32 $0x1880;
	s11 =	simm.s32 $0x2080;
	s12 =	simm.s32 $0x2880  }
0x5: {  	s13 =	simm.s32 $0x3080;
	s14 =	simm.s32 $0x3880;
	s15 =	simm.s32 $0x4080  }
0x6: {  	s16 =	simm.s32 $0x4880;
	s17 =	simm.s32 $0x5080;
	s18 =	simm.s32 $0x5880  }
0x7: {  	s19 =	simm.s32 $0x6080;
	s20 =	simm.s32 $0x6880;
	s21 =	simm.s32 $0x7080  }
0x8: {  	s22 =	simm.s32 $0x7880;
	s28 =	simm.s32 $0xA080;
	s29 =	simm.s32 $0xA880  }
0x9: {  	s30 =	simm.s32 $0xB080;
	s31 =	simm.s32 $0xB880;
	s3 =	sand.u32 $0x1, s3  }
0xa: {  	[smem:$0x7FF] =	sst s2;
	s4 =	sshll.u32 s1, $0x4;
	s6 =	sshll.u32 s3, $0x3  }
0xb: {  	_ =	strace $0x8000004A;
	s23 =	ssub.s32 $0x2, s3;
	s3 =	sadd.s32 $0xF1400, s0  }
0xc: {  	[dreg:$0x5] =	wrdreg s26;
	s26 =	simm.s32 $0x9880;
	s4 =	sor.u32 s6, s4  }
0xd: {  	s8 =	sshrl.u32 s23, $0x1;
	s7 =	sadd.s32 s4, s0;
	s9 =	smul.u32 $0x300, s4  }
0xe: {  	s6 =	ssub.s32 s23, s8;
	s4 =	sadd.s32 $0xF1500, s0;
	s8 =	simm.s32 $0x80  }
0xf: {  	s23 =	simm.s32 $0x8080;
	s24 =	sadd.s32 $0x1200, s7;
	s6 =	smax.u32 s6, $0x1  }
0x10: {  	v2 =	vlaneseq.u32;
	s7 =	simm.s32 $0x2;
	[dreg:$0x3] =	wrdreg s24;
	s25 =	sadd.s32 s5, s9  }
0x11: {  	vm0 =	vmmov $0xffff;
	v1 =	vshrl.u32 v2, $0x3;
	s5 =	sadd.s32 $0xF1600, s0;
	s9 =	simm.s32 $0x1080;
	s24 =	simm.s32 $0x8880  }
0x12: {  	v0 =	vand.u32 $0x7, v2;
	v2 =	vor.u32 $0x8, v2;
	v1 =	vmul.u32 $0x8, v1;
	s0 =	simm.s32 $0x1;
	[dreg:$0x4] =	wrdreg s25;
	s25 =	simm.s32 $0x9080  }
.LBB2_1:
0x13: {  	s1 =	rddreg [dreg:$0x3]  }
0x14: {  	[tilespmem:s2], [sflag:$0x2] =	stream.linear.gather [hbm4b:s1+s2], $0x40, $0x38;
	[tilespmem:$0xC080] =	vst v63  }
0x15: {  	_ =	swait.ge [sflag:s7], $0x40  }
0x16: {  	[sflag:s7] =	ssyncset.done $0x0  }
0x17: {  	[sflag:s7] =	ssyncadd.s32 $0xFFFFFFC0  }
0x18: {  	v3 =	vld [tilespmem:$0x0];
	_ =	sdelay $0x4  }
0x19: {  	v4 =	vshrl.u32 v3, $0x3  }
0x1a: {  	v4 =	vmul.u32 $0x30, v4  }
0x1b: {  	v3 =	vand.u32 $0x7, v3  }
0x1c: {  	v3 =	vor.u32 v3, v4  }
0x1d: {  	v4 =	vperm.xlane v3, v0;
	_ =	sdelay $0x1  }
0x1e: {  	v4 =	vadd.s32 v1, v4;
	_ =	sdelay $0x3  }
0x1f: {  	v3 =	vperm.xlane v3, v2  }
0x20: {  	[tilespmem:s8], [sflag:$0x1] =	stream.indirect_vreg.gather [hbm4b:s3+s2], $0x80, v4, vm0, $0xb8;
	[tilespmem:$0xC080] =	vst v63  }
0x21: {  	s1 =	rddreg [dreg:$0x5];
	v3 =	vadd.s32 v1, v3  }
0x22: {  	[tilespmem:s1], [sflag:$0x1] =	stream.indirect_vreg.gather [hbm4b:s4+s2], $0x80, v4, vm0, $0xb8;
	[tilespmem:$0xC080] =	vst v63  }
0x23: {  	_ = 	snop  }
0x24: {  	[tilespmem:s9], [sflag:$0x1] =	stream.indirect_vreg.gather [hbm4b:s5+s2], $0x80, v4, vm0, $0xb8;
	[tilespmem:$0xC080] =	vst v63  }
0x25: {  	_ = 	snop  }
0x26: {  	[tilespmem:s10], [sflag:$0x1] =	stream.indirect_vreg.gather [hbm4b:s3+s2], $0x80, v3, vm0, $0xb8;
	[tilespmem:$0xC080] =	vst v63  }
0x27: {  	_ = 	snop  }
0x28: {  	[tilespmem:s11], [sflag:$0x1] =	stream.indirect_vreg.gather [hbm4b:s4+s2], $0x80, v3, vm0, $0xb8;
	[tilespmem:$0xC080] =	vst v63  }
0x29: {  	_ = 	snop  }
0x2a: {  	[tilespmem:s12], [sflag:$0x1] =	stream.indirect_vreg.gather [hbm4b:s5+s2], $0x80, v3, vm0, $0xb8;
	[tilespmem:$0xC080] =	vst v63  }
0x2b: {  	v3 =	vld [tilespmem:$0x10];
	_ =	sdelay $0x4  }
0x2c: {  	v61 =	vshrl.u32 v3, $0x3  }
0x2d: {  	v4 =	vmul.u32 $0x30, v61  }
0x2e: {  	v3 =	vand.u32 $0x7, v3  }
0x2f: {  	v3 =	vor.u32 v3, v4  }
0x30: {  	v4 =	vperm.xlane v3, v0;
	_ =	sdelay $0x1  }
0x31: {  	v4 =	vadd.s32 v1, v4;
	_ =	sdelay $0x3  }
0x32: {  	v3 =	vperm.xlane v3, v2  }
0x33: {  	[tilespmem:s13], [sflag:$0x1] =	stream.indirect_vreg.gather [hbm4b:s3+s2], $0x80, v4, vm0, $0xb8;
	[tilespmem:$0xC080] =	vst v63  }
0x34: {  	v3 =	vadd.s32 v1, v3  }
0x35: {  	[tilespmem:s14], [sflag:$0x1] =	stream.indirect_vreg.gather [hbm4b:s4+s2], $0x80, v4, vm0, $0xb8;
	[tilespmem:$0xC080] =	vst v63  }
0x36: {  	_ = 	snop  }
0x37: {  	[tilespmem:s15], [sflag:$0x1] =	stream.indirect_vreg.gather [hbm4b:s5+s2], $0x80, v4, vm0, $0xb8;
	[tilespmem:$0xC080] =	vst v63  }
0x38: {  	_ = 	snop  }
0x39: {  	[tilespmem:s16], [sflag:$0x1] =	stream.indirect_vreg.gather [hbm4b:s3+s2], $0x80, v3, vm0, $0xb8;
	[tilespmem:$0xC080] =	vst v63  }
0x3a: {  	_ = 	snop  }
0x3b: {  	[tilespmem:s17], [sflag:$0x1] =	stream.indirect_vreg.gather [hbm4b:s4+s2], $0x80, v3, vm0, $0xb8;
	[tilespmem:$0xC080] =	vst v63  }
0x3c: {  	_ = 	snop  }
0x3d: {  	[tilespmem:s18], [sflag:$0x1] =	stream.indirect_vreg.gather [hbm4b:s5+s2], $0x80, v3, vm0, $0xb8;
	[tilespmem:$0xC080] =	vst v63  }
0x3e: {  	v3 =	vld [tilespmem:$0x20];
	_ =	sdelay $0x4  }
0x3f: {  	v62 =	vshrl.u32 v3, $0x3  }
0x40: {  	v4 =	vmul.u32 $0x30, v62  }
0x41: {  	v3 =	vand.u32 $0x7, v3  }
0x42: {  	v3 =	vor.u32 v3, v4  }
0x43: {  	v4 =	vperm.xlane v3, v0;
	_ =	sdelay $0x1  }
0x44: {  	v4 =	vadd.s32 v1, v4;
	_ =	sdelay $0x3  }
0x45: {  	v3 =	vperm.xlane v3, v2  }
0x46: {  	[tilespmem:s19], [sflag:$0x1] =	stream.indirect_vreg.gather [hbm4b:s3+s2], $0x80, v4, vm0, $0xb8;
	[tilespmem:$0xC080] =	vst v63  }
0x47: {  	v3 =	vadd.s32 v1, v3  }
0x48: {  	[tilespmem:s20], [sflag:$0x1] =	stream.indirect_vreg.gather [hbm4b:s4+s2], $0x80, v4, vm0, $0xb8;
	[tilespmem:$0xC080] =	vst v63  }
0x49: {  	_ = 	snop  }
0x4a: {  	[tilespmem:s21], [sflag:$0x1] =	stream.indirect_vreg.gather [hbm4b:s5+s2], $0x80, v4, vm0, $0xb8;
	[tilespmem:$0xC080] =	vst v63  }
0x4b: {  	_ = 	snop  }
0x4c: {  	[tilespmem:s22], [sflag:$0x1] =	stream.indirect_vreg.gather [hbm4b:s3+s2], $0x80, v3, vm0, $0xb8;
	[tilespmem:$0xC080] =	vst v63  }
0x4d: {  	_ = 	snop  }
0x4e: {  	[tilespmem:s23], [sflag:$0x1] =	stream.indirect_vreg.gather [hbm4b:s4+s2], $0x80, v3, vm0, $0xb8;
	[tilespmem:$0xC080] =	vst v63  }
0x4f: {  	_ = 	snop  }
0x50: {  	[tilespmem:s24], [sflag:$0x1] =	stream.indirect_vreg.gather [hbm4b:s5+s2], $0x80, v3, vm0, $0xb8;
	[tilespmem:$0xC080] =	vst v63  }
0x51: {  	v3 =	vld [tilespmem:$0x30];
	_ =	sdelay $0x4  }
0x52: {  	v63 =	vshrl.u32 v3, $0x3  }
0x53: {  	v4 =	vmul.u32 $0x30, v63  }
0x54: {  	v3 =	vand.u32 $0x7, v3  }
0x55: {  	v3 =	vor.u32 v3, v4  }
0x56: {  	v4 =	vperm.xlane v3, v0;
	_ =	sdelay $0x1  }
0x57: {  	v4 =	vadd.s32 v1, v4;
	_ =	sdelay $0x3  }
0x58: {  	v3 =	vperm.xlane v3, v2  }
0x59: {  	[tilespmem:s25], [sflag:$0x1] =	stream.indirect_vreg.gather [hbm4b:s3+s2], $0x80, v4, vm0, $0xb8;
	[tilespmem:$0xC080] =	vst v63  }
0x5a: {  	v3 =	vadd.s32 v1, v3  }
0x5b: {  	[tilespmem:s26], [sflag:$0x1] =	stream.indirect_vreg.gather [hbm4b:s4+s2], $0x80, v4, vm0, $0xb8;
	[tilespmem:$0xC080] =	vst v63  }
0x5c: {  	_ = 	snop  }
0x5d: {  	[tilespmem:s28], [sflag:$0x1] =	stream.indirect_vreg.gather [hbm4b:s5+s2], $0x80, v4, vm0, $0xb8;
	[tilespmem:$0xC080] =	vst v63  }
0x5e: {  	_ = 	snop  }
0x5f: {  	[tilespmem:s29], [sflag:$0x1] =	stream.indirect_vreg.gather [hbm4b:s3+s2], $0x80, v3, vm0, $0xb8;
	[tilespmem:$0xC080] =	vst v63  }
0x60: {  	_ = 	snop  }
0x61: {  	[tilespmem:s30], [sflag:$0x1] =	stream.indirect_vreg.gather [hbm4b:s4+s2], $0x80, v3, vm0, $0xb8;
	[tilespmem:$0xC080] =	vst v63  }
0x62: {  	_ = 	snop  }
0x63: {  	[tilespmem:s31], [sflag:$0x1] =	stream.indirect_vreg.gather [hbm4b:s5+s2], $0x80, v3, vm0, $0xb8;
	[tilespmem:$0xC080] =	vst v63  }
0x64: {  	_ =	swait.ge [sflag:s0], $0xC000  }
0x65: {  	p0 =	sne.s32 s6, $0x1;
	[sflag:s0] =	ssyncset.done $0x0  }
.Ltmp0:
0x66: {  	s1 =	rddreg [dreg:$0x4];
	[sflag:s0] =	ssyncadd.s32 $0xFFFF4000;
	(pc) =	sbr.rel @p0 .LBB2_1-.Ltmp0, $4  }
0x67: {  	[hbm4b:s1+s2] =	stream.linear.scatter [tilespmem:s8], [sflag:$0x2], $0xC000, $0x38;
	[tilespmem:$0xC080] =	vst v63  }
0x68: {  	_ =	swait.ge [sflag:s7], $0xC000  }
0x69: {  	[sflag:s7] =	ssyncset.done $0x0  }
0x6a: {  	s6 =	sadd.s32 $0xFFFFFFFF, s6;
	[sflag:s7] =	ssyncadd.s32 $0xFFFF4000  }
0x6b: {  	_ =	sfence.sel $0x180000  }
0x6c: {  	[bflag:$0x0] =	sbarrier.arrive $0xFFFF  }
0x6d: {  	_ =	strace $0x9000004A  }
0x6e: {  	s0 =	stileid.u32;
	[bflag:$0x2] =	sbarrier.arrive $0xFFFF  }
0x6f: {  	p0 =	sne.s32 s0, $0x0;
	s0 =	rddreg [dreg:$0x2]  }
0x70: {  	s0 =	sadd.s32 @!p0 $0x100000, s0  }
0x71: {  	[sflag:s0] =	ssyncadd.tile.s32 @!p0 $0x1;
	_ =	shalt  }
.Lfunc_end2:
_tile_overlayer_lowered:
.L_overlay_start_2:
0x72: {  	(tag) =	ssettag $0x2  }
0x73: {  	s0 =	rddreg [dreg:$0x0];
	s2 =	stileid.u32  }
0x74: {  	s1 =	rddreg [dreg:$0x1];
	p0 =	sne.s32 s2, $0x0  }
0x75: {  	s3 =	rddreg [dreg:$0x2];
	[bflag:$0x3] =	sbarrier.arrive $0xFFFF;
	s2 =	simm.s32 @!p0 $0x1C02  }
0x76: {  	[timem:s3], [sflag:s2] =	dma.local @!p0 [hbm:s0], s1  }
0x77: {  	s0 =	simm.s32 @!p0 $0x2  }
0x78: {  	_ =	swait.ge @!p0 [sflag:s0], s1  }
0x79: {  	s1 =	ssub.s32 @!p0 $0x0, s1;
	[sflag:s0] =	ssyncset.done @!p0 $0x0  }
0x7a: {  	[sflag:s0] =	ssyncadd.s32 @!p0 s1  }
0x7b: {  	[bflag:$0x3] =	sbarrier.arrive $0xFFFF  }
0x7c: {  	_ =	shalt  }

</sc_bundles>
